<compile_context>
chip_gen: v7x
topology: tpu7x:2x2x1
jax: 0.10.2.dev20260603
libtpu: 0.0.44.dev20260713+nightly
codegen_flags: <defaults>
</compile_context>

<pallas_src>
import functools

import jax
import jax.numpy as jnp
from jax import lax
from jax.experimental import pallas as pl
from jax.experimental.pallas import tpu as pltpu
from jax.experimental.pallas import tpu_sc as plsc

B = 4096
LT = 200
LG = 20
EMB = 100
NCLS = 4
EPAD = 128
HPAD = 256

NC = 2
NS = 16
NW = NC * NS
RPW = B // NW
NIDX = 224
IW = 256
FLUSH = 16

OFFS = (0, 16, 32, 48, 64, 80, 96)
GBASE = 112
ZOFFS = (224, 240)


def _sc_pool_body(idx_hbm, table_hbm, out_hbm, idx_v, g0, g1, g2, out_v,
                  s0, s1, s2):
    wid = lax.axis_index("s") * NC + lax.axis_index("c")
    base = wid * RPW
    pltpu.sync_copy(idx_hbm.at[pl.ds(base * IW, RPW * IW)], idx_v)

    bufs = ((g0, s0), (g1, s1), (g2, s2))

    def start(row, gb, sa):
        pltpu.make_async_copy(
            table_hbm.at[idx_v.at[pl.ds(row * IW, NIDX)]],
            gb, sa).start()

    def wait(row, gb, sa):
        pltpu.make_async_copy(
            table_hbm.at[idx_v.at[pl.ds(row * IW, NIDX)]],
            gb, sa).wait()

    zero = jnp.zeros((16,), jnp.float32)

    def accum(row, gb):
        def chunk_sum(lo, hi, unroll):
            @plsc.parallel_loop(lo, hi, carry=tuple(zero for _ in OFFS),
                                unroll=unroll)
            def accs(i, accs):
                return tuple(a + gb[i, pl.ds(o, 16)]
                             for a, o in zip(accs, OFFS))
            return accs

        taccs = chunk_sum(0, LT, 4)
        gaccs = chunk_sum(LT, LT + LG, 4)
        orow = lax.rem(row, FLUSH)
        for a, o in zip(taccs, OFFS):
            out_v[orow, pl.ds(o, 16)] = jnp.maximum(a * (1.0 / LT), 0.0)
        for a, o in zip(gaccs, OFFS):
            out_v[orow, pl.ds(GBASE + o, 16)] = \
                jnp.maximum(a * (1.0 / LG), 0.0)
        for o in ZOFFS:
            out_v[orow, pl.ds(o, 16)] = zero
        @pl.when(orow == FLUSH - 1)
        def _():
            off = pl.multiple_of(base + row - (FLUSH - 1), FLUSH)
            pltpu.sync_copy(out_v, out_hbm.at[pl.ds(off, FLUSH)])

    start(jnp.int32(0), *bufs[0])
    start(jnp.int32(1), *bufs[1])

    def outer(g, _):
        for bi, (gb, sa) in enumerate(bufs):
            row = 3 * g + bi
            wait(row, gb, sa)
            nb, ns = bufs[(bi + 2) % 3]
            start(row + 2, nb, ns)
            accum(row, gb)
        return ()

    lax.fori_loop(0, RPW // 3, outer, ())
    for r in range(RPW - 2, RPW):
        gb, sa = bufs[r % 3]
        wait(jnp.int32(r), gb, sa)
        accum(jnp.int32(r), gb)


def _pooled(text, target, table):
    text = text.astype(jnp.int32)
    target = target.astype(jnp.int32)
    idx = jnp.concatenate(
        [text, target, jnp.zeros((B, IW - LT - LG), jnp.int32)],
        axis=1).reshape(-1)
    table_p = _pad_table(table)

    mesh = plsc.VectorSubcoreMesh(core_axis_name="c", subcore_axis_name="s")
    return pl.kernel(
        _sc_pool_body,
        out_type=jax.ShapeDtypeStruct((B, HPAD), jnp.float32),
        mesh=mesh,
        scratch_types=[
            pltpu.VMEM((RPW * IW,), jnp.int32),
            pltpu.VMEM((NIDX, EPAD), jnp.float32),
            pltpu.VMEM((NIDX, EPAD), jnp.float32),
            pltpu.VMEM((NIDX, EPAD), jnp.float32),
            pltpu.VMEM((FLUSH, HPAD), jnp.float32),
            pltpu.SemaphoreType.DMA,
            pltpu.SemaphoreType.DMA,
            pltpu.SemaphoreType.DMA,
        ],
    )(idx, table_p)


def _pad_body(t_ref, o_ref):
    o_ref[...] = jnp.pad(t_ref[...], ((0, 0), (0, EPAD - EMB)))


def _pad_table(table):
    nblk = 125
    rows = table.shape[0] // nblk
    return pl.pallas_call(
        _pad_body,
        out_shape=jax.ShapeDtypeStruct((table.shape[0], EPAD), jnp.float32),
        grid=(nblk,),
        in_specs=[pl.BlockSpec((rows, EMB), lambda i: (i, 0))],
        out_specs=pl.BlockSpec((rows, EPAD), lambda i: (i, 0)),
    )(table)


def _fc_body(h_ref, w_ref, b_ref, o_ref):
    o_ref[...] = lax.dot_general(
        h_ref[...], w_ref[...], (((1,), (1,)), ((), ())),
        preferred_element_type=jnp.float32) + b_ref[...]


@jax.jit
def kernel(text, target, table, W, b):
    hidden = _pooled(text, target, table)
    w_pad = jnp.zeros((NCLS, HPAD), jnp.float32)
    w_pad = w_pad.at[:, :EMB].set(W[:, :EMB])
    w_pad = w_pad.at[:, GBASE:GBASE + EMB].set(W[:, EMB:])
    out = pl.pallas_call(
        _fc_body,
        out_shape=jax.ShapeDtypeStruct((B, NCLS), jnp.float32),
        in_specs=[
            pl.BlockSpec((B, HPAD), lambda: (0, 0)),
            pl.BlockSpec((NCLS, HPAD), lambda: (0, 0)),
            pl.BlockSpec((1, NCLS), lambda: (0, 0)),
        ],
        out_specs=pl.BlockSpec((B, NCLS), lambda: (0, 0)),
    )(hidden, w_pad, b.reshape(1, NCLS))
    return out

# --- scband reference (transcript-rebuilt; emitter-appended) ---
"""Pipeline reference for scband-fast-text-10402410791733 (READ-ONLY COPY).

The authoritative reference and input builder live on the scoring server;
editing this copy changes nothing except your own understanding.
"""

import jax, jax.numpy as jnp
import numpy as np

VOC_LEN = 1000000
EMB = 100
CLASS_SIZE = 4
B = 4096
LT = 200
LG = 20
TARGET_IDX = 2


def setup_inputs(seed: int = 0) -> dict:
    key = jax.random.key(seed)
    k1, k2, k3, k4, k5 = jax.random.split(key, 5)
    text = jax.random.randint(k1, (B, LT), 0, VOC_LEN)
    target = jax.random.randint(k2, (B, LG), 0, VOC_LEN)
    table = jax.random.normal(k3, (VOC_LEN, EMB), dtype=jnp.float32) * 0.02
    # fc_targets[TARGET_IDX]: Linear(200, class_size)
    W = jax.random.normal(k4, (CLASS_SIZE, 2 * EMB), dtype=jnp.float32) * 0.05
    b = jax.random.normal(k5, (CLASS_SIZE,), dtype=jnp.float32) * 0.01
    return {"text": text, "target": target, "table": table, "W": W, "b": b}


def reference(text, target, table, W, b):
    # embedding lookups (gather)
    text_em = jnp.take(table, text, axis=0)      # [B, LT, EMB]
    target_em = jnp.take(table, target, axis=0)  # [B, LG, EMB]
    mean_text = jnp.mean(text_em, axis=1)        # [B, EMB]
    mean_target = jnp.mean(target_em, axis=1)    # [B, EMB]
    hn = jnp.concatenate([mean_text, mean_target], axis=1)  # [B, 200]
    hn = jax.nn.relu(hn)
    # dropout is identity in deterministic/eval reference
    hn = hn.reshape(-1, 2 * EMB)
    output1 = hn @ W.T + b                        # fc_targets[TARGET_IDX]
    return output1

if __name__ == "__main__":
    import jax
    _d = setup_inputs()
    print(jax.jit(kernel)(*tuple(_d.values())))

</pallas_src>

<mosaic_0001>
#map = affine_map<(d0, d1) -> (0)>
#map1 = affine_map<(d0, d1) -> (0, 0)>
module attributes {stable_mosaic.version = 14 : i64} {
  func.func @_sc_pool_body(%arg0: i32, %arg1: i32, %arg2: memref<1048576xi32, #tpu.memory_space<hbm>>, %arg3: memref<1000000x128xf32, #tpu.memory_space<hbm>>, %arg4: memref<4096x256xf32, #tpu.memory_space<hbm>>, %arg5: memref<32768xi32, #tpu.memory_space<vmem>>, %arg6: memref<224x128xf32, #tpu.memory_space<vmem>>, %arg7: memref<224x128xf32, #tpu.memory_space<vmem>>, %arg8: memref<224x128xf32, #tpu.memory_space<vmem>>, %arg9: memref<16x256xf32, #tpu.memory_space<vmem>>, %arg10: memref<!tpu.dma_semaphore, #tpu.memory_space<semaphore_mem>>, %arg11: memref<!tpu.dma_semaphore, #tpu.memory_space<semaphore_mem>>, %arg12: memref<!tpu.dma_semaphore, #tpu.memory_space<semaphore_mem>>) attributes {dimension_semantics = [#tpu.dimension_semantics<core_parallel>, #tpu.dimension_semantics<subcore_parallel>], iteration_bounds = array<i64: 2, 16>, scalar_prefetch = 0 : i64, scratch_operands = 8 : i64, tpu.core_type = #tpu.core_type<sc_vector_subcore>, window_params = [{transform_indices = #map}, {transform_indices = #map1}, {transform_indices = #map1}]} {
    %mul3A = arith.constant 2 : i32
    %mul3A_0 = arith.muli %arg1, %mul3A : i32
    %add3A = arith.addi %mul3A_0, %arg0 : i32
    %mul3A_1 = arith.constant 128 : i32
    %mul3A_2 = arith.muli %add3A, %mul3A_1 : i32
    %mul3A_3 = arith.constant 256 : i32
    %mul3A_4 = arith.muli %mul3A_2, %mul3A_3 : i32
    "tpu.region"() ({
      %run_scoped3A = tpu.sem_alloc : memref<!tpu.dma_semaphore, #tpu.memory_space<semaphore_mem>>
      %dma_start3A_391 = tpu.memref_slice %arg2[%mul3A_4] : memref<1048576xi32, #tpu.memory_space<hbm>> -> memref<32768xi32, #tpu.memory_space<hbm>>
      %dma_start3A_392 = tpu.memref_slice %arg2[%mul3A_4] : memref<1048576xi32, #tpu.memory_space<hbm>> -> memref<32768xi32, #tpu.memory_space<hbm>>
      tpu.enqueue_dma source(%dma_start3A_392 : memref<32768xi32, #tpu.memory_space<hbm>>) target(%arg5 : memref<32768xi32, #tpu.memory_space<vmem>>) target_semaphore(%run_scoped3A : memref<!tpu.dma_semaphore, #tpu.memory_space<semaphore_mem>>)
      %dma_wait3A_393 = tpu.memref_slice %arg2[%mul3A_4] : memref<1048576xi32, #tpu.memory_space<hbm>> -> memref<32768xi32, #tpu.memory_space<hbm>>
      %dma_wait3A_394 = tpu.memref_slice %arg2[%mul3A_4] : memref<1048576xi32, #tpu.memory_space<hbm>> -> memref<32768xi32, #tpu.memory_space<hbm>>
      tpu.wait_dma2 semaphore(%run_scoped3A : memref<!tpu.dma_semaphore, #tpu.memory_space<semaphore_mem>>) src(%dma_wait3A_394 : memref<32768xi32, #tpu.memory_space<hbm>>) dst(%arg5 : memref<32768xi32, #tpu.memory_space<vmem>>)
      tpu.yield
    }) : () -> ()
    %broadcast_in_dim3A = arith.constant 0.000000e+00 : f32
    %broadcast_in_dim3A_5 = vector.broadcast %broadcast_in_dim3A : f32 to vector<16xf32>
    %mul3A_6 = arith.constant 0 : i32
    %mul3A_7 = arith.constant 256 : i32
    %mul3A_8 = arith.muli %mul3A_6, %mul3A_7 : i32
    %dma_start3A = tpu.memref_slice %arg5[%mul3A_8] : memref<32768xi32, #tpu.memory_space<vmem>> -> memref<224xi32, #tpu.memory_space<vmem>>
    %dma_start3A_9 = arith.constant 0 : i32
    %dma_start3A_10 = arith.constant 0 : i32
    %dma_start3A_11 = tpu.memref_slice %arg3[%dma_start3A_9, %dma_start3A_10] : memref<1000000x128xf32, #tpu.memory_space<hbm>> -> memref<1000000x128xf32, #tpu.memory_space<hbm>>
    tpu.enqueue_indirect_dma source(%dma_start3A_11 : memref<1000000x128xf32, #tpu.memory_space<hbm>>) target(%arg6 : memref<224x128xf32, #tpu.memory_space<vmem>>) offsets(%dma_start3A : memref<224xi32, #tpu.memory_space<vmem>>) semaphore(%arg10 : memref<!tpu.dma_semaphore, #tpu.memory_space<semaphore_mem>>)
    %mul3A_12 = arith.constant 1 : i32
    %mul3A_13 = arith.constant 256 : i32
    %mul3A_14 = arith.muli %mul3A_12, %mul3A_13 : i32
    %dma_start3A_15 = tpu.memref_slice %arg5[%mul3A_14] : memref<32768xi32, #tpu.memory_space<vmem>> -> memref<224xi32, #tpu.memory_space<vmem>>
    %dma_start3A_16 = arith.constant 0 : i32
    %dma_start3A_17 = arith.constant 0 : i32
    %dma_start3A_18 = tpu.memref_slice %arg3[%dma_start3A_16, %dma_start3A_17] : memref<1000000x128xf32, #tpu.memory_space<hbm>> -> memref<1000000x128xf32, #tpu.memory_space<hbm>>
    tpu.enqueue_indirect_dma source(%dma_start3A_18 : memref<1000000x128xf32, #tpu.memory_space<hbm>>) target(%arg7 : memref<224x128xf32, #tpu.memory_space<vmem>>) offsets(%dma_start3A_15 : memref<224xi32, #tpu.memory_space<vmem>>) semaphore(%arg11 : memref<!tpu.dma_semaphore, #tpu.memory_space<semaphore_mem>>)
    %scan3A = arith.constant 0 : i32
    %scan3A_19 = arith.constant 42 : i32
    %scan3A_20 = arith.addi %scan3A, %scan3A_19 : i32
    %scan3A_21 = arith.constant 1 : i32
    scf.for %scan3A_391 = %scan3A to %scan3A_20 step %scan3A_21  : i32 {
      %mul3A_392 = arith.constant 3 : i32
      %mul3A_393 = arith.muli %mul3A_392, %scan3A_391 : i32
      %add3A_394 = arith.constant 0 : i32
      %add3A_395 = arith.addi %mul3A_393, %add3A_394 : i32
      %mul3A_396 = arith.constant 256 : i32
      %mul3A_397 = arith.muli %add3A_395, %mul3A_396 : i32
      %dma_wait3A_398 = tpu.memref_slice %arg5[%mul3A_397] : memref<32768xi32, #tpu.memory_space<vmem>> -> memref<224xi32, #tpu.memory_space<vmem>>
      %dma_wait3A_399 = arith.constant 0 : i32
      %dma_wait3A_400 = arith.constant 0 : i32
      %dma_wait3A_401 = tpu.memref_slice %arg3[%dma_wait3A_399, %dma_wait3A_400] : memref<1000000x128xf32, #tpu.memory_space<hbm>> -> memref<1000000x128xf32, #tpu.memory_space<hbm>>
      tpu.wait_indirect_dma semaphore(%arg10 : memref<!tpu.dma_semaphore, #tpu.memory_space<semaphore_mem>>) src(%dma_wait3A_401 : memref<1000000x128xf32, #tpu.memory_space<hbm>>) dst(%arg6 : memref<224x128xf32, #tpu.memory_space<vmem>>)
      %add3A_402 = arith.constant 2 : i32
      %add3A_403 = arith.addi %add3A_395, %add3A_402 : i32
      %mul3A_404 = arith.constant 256 : i32
      %mul3A_405 = arith.muli %add3A_403, %mul3A_404 : i32
      %dma_start3A_406 = tpu.memref_slice %arg5[%mul3A_405] : memref<32768xi32, #tpu.memory_space<vmem>> -> memref<224xi32, #tpu.memory_space<vmem>>
      %dma_start3A_407 = arith.constant 0 : i32
      %dma_start3A_408 = arith.constant 0 : i32
      %dma_start3A_409 = tpu.memref_slice %arg3[%dma_start3A_407, %dma_start3A_408] : memref<1000000x128xf32, #tpu.memory_space<hbm>> -> memref<1000000x128xf32, #tpu.memory_space<hbm>>
      tpu.enqueue_indirect_dma source(%dma_start3A_409 : memref<1000000x128xf32, #tpu.memory_space<hbm>>) target(%arg8 : memref<224x128xf32, #tpu.memory_space<vmem>>) offsets(%dma_start3A_406 : memref<224xi32, #tpu.memory_space<vmem>>) semaphore(%arg12 : memref<!tpu.dma_semaphore, #tpu.memory_space<semaphore_mem>>)
      %parallel_loop3A_410 = arith.constant 0 : i32
      %parallel_loop3A_411 = arith.constant 200 : i32
      %parallel_loop3A_412 = arith.constant 1 : i32
      %parallel_loop3A_413:7 = scf.for %parallel_loop3A_983 = %parallel_loop3A_410 to %parallel_loop3A_411 step %parallel_loop3A_412 iter_args(%parallel_loop3A_984 = %broadcast_in_dim3A_5, %parallel_loop3A_985 = %broadcast_in_dim3A_5, %parallel_loop3A_986 = %broadcast_in_dim3A_5, %parallel_loop3A_987 = %broadcast_in_dim3A_5, %parallel_loop3A_988 = %broadcast_in_dim3A_5, %parallel_loop3A_989 = %broadcast_in_dim3A_5, %parallel_loop3A_990 = %broadcast_in_dim3A_5) -> (vector<16xf32>, vector<16xf32>, vector<16xf32>, vector<16xf32>, vector<16xf32>, vector<16xf32>, vector<16xf32>)  : i32 {
        %parallel_loop3A_991 = arith.index_cast %parallel_loop3A_983 : i32 to index
        %parallel_loop3A_992 = arith.constant 0 : index
        %parallel_loop3A_993 = tpu.vector_load %arg6[%parallel_loop3A_991, %parallel_loop3A_992] {strides = array<i32>} : memref<224x128xf32, #tpu.memory_space<vmem>>, vector<1x16xf32>,
        %parallel_loop3A_994 = vector.shape_cast %parallel_loop3A_993 : vector<1x16xf32> to vector<16xf32>
        %parallel_loop3A_995 = arith.addf %parallel_loop3A_984, %parallel_loop3A_994 : vector<16xf32>
        %parallel_loop3A_996 = arith.index_cast %parallel_loop3A_983 : i32 to index
        %parallel_loop3A_997 = arith.constant 16 : index
        %parallel_loop3A_998 = tpu.vector_load %arg6[%parallel_loop3A_996, %parallel_loop3A_997] {strides = array<i32>} : memref<224x128xf32, #tpu.memory_space<vmem>>, vector<1x16xf32>,
        %parallel_loop3A_999 = vector.shape_cast %parallel_loop3A_998 : vector<1x16xf32> to vector<16xf32>
        %parallel_loop3A_1000 = arith.addf %parallel_loop3A_985, %parallel_loop3A_999 : vector<16xf32>
        %parallel_loop3A_1001 = arith.index_cast %parallel_loop3A_983 : i32 to index
        %parallel_loop3A_1002 = arith.constant 32 : index
        %parallel_loop3A_1003 = tpu.vector_load %arg6[%parallel_loop3A_1001, %parallel_loop3A_1002] {strides = array<i32>} : memref<224x128xf32, #tpu.memory_space<vmem>>, vector<1x16xf32>,
        %parallel_loop3A_1004 = vector.shape_cast %parallel_loop3A_1003 : vector<1x16xf32> to vector<16xf32>
        %parallel_loop3A_1005 = arith.addf %parallel_loop3A_986, %parallel_loop3A_1004 : vector<16xf32>
        %parallel_loop3A_1006 = arith.index_cast %parallel_loop3A_983 : i32 to index
        %parallel_loop3A_1007 = arith.constant 48 : index
        %parallel_loop3A_1008 = tpu.vector_load %arg6[%parallel_loop3A_1006, %parallel_loop3A_1007] {strides = array<i32>} : memref<224x128xf32, #tpu.memory_space<vmem>>, vector<1x16xf32>,
        %parallel_loop3A_1009 = vector.shape_cast %parallel_loop3A_1008 : vector<1x16xf32> to vector<16xf32>
        %parallel_loop3A_1010 = arith.addf %parallel_loop3A_987, %parallel_loop3A_1009 : vector<16xf32>
        %parallel_loop3A_1011 = arith.index_cast %parallel_loop3A_983 : i32 to index
        %parallel_loop3A_1012 = arith.constant 64 : index
        %parallel_loop3A_1013 = tpu.vector_load %arg6[%parallel_loop3A_1011, %parallel_loop3A_1012] {strides = array<i32>} : memref<224x128xf32, #tpu.memory_space<vmem>>, vector<1x16xf32>,
        %parallel_loop3A_1014 = vector.shape_cast %parallel_loop3A_1013 : vector<1x16xf32> to vector<16xf32>
        %parallel_loop3A_1015 = arith.addf %parallel_loop3A_988, %parallel_loop3A_1014 : vector<16xf32>
        %parallel_loop3A_1016 = arith.index_cast %parallel_loop3A_983 : i32 to index
        %parallel_loop3A_1017 = arith.constant 80 : index
        %parallel_loop3A_1018 = tpu.vector_load %arg6[%parallel_loop3A_1016, %parallel_loop3A_1017] {strides = array<i32>} : memref<224x128xf32, #tpu.memory_space<vmem>>, vector<1x16xf32>,
        %parallel_loop3A_1019 = vector.shape_cast %parallel_loop3A_1018 : vector<1x16xf32> to vector<16xf32>
        %parallel_loop3A_1020 = arith.addf %parallel_loop3A_989, %parallel_loop3A_1019 : vector<16xf32>
        %parallel_loop3A_1021 = arith.index_cast %parallel_loop3A_983 : i32 to index
        %parallel_loop3A_1022 = arith.constant 96 : index
        %parallel_loop3A_1023 = tpu.vector_load %arg6[%parallel_loop3A_1021, %parallel_loop3A_1022] {strides = array<i32>} : memref<224x128xf32, #tpu.memory_space<vmem>>, vector<1x16xf32>,
        %parallel_loop3A_1024 = vector.shape_cast %parallel_loop3A_1023 : vector<1x16xf32> to vector<16xf32>
        %parallel_loop3A_1025 = arith.addf %parallel_loop3A_990, %parallel_loop3A_1024 : vector<16xf32>
        scf.yield %parallel_loop3A_995, %parallel_loop3A_1000, %parallel_loop3A_1005, %parallel_loop3A_1010, %parallel_loop3A_1015, %parallel_loop3A_1020, %parallel_loop3A_1025 : vector<16xf32>, vector<16xf32>, vector<16xf32>, vector<16xf32>, vector<16xf32>, vector<16xf32>, vector<16xf32>
      } {sc.loop_unroll_factor = 4 : i64, sc.parallel_access}
      %parallel_loop3A_414 = arith.constant 200 : i32
      %parallel_loop3A_415 = arith.constant 220 : i32
      %parallel_loop3A_416 = arith.constant 1 : i32
      %parallel_loop3A_417:7 = scf.for %parallel_loop3A_983 = %parallel_loop3A_414 to %parallel_loop3A_415 step %parallel_loop3A_416 iter_args(%parallel_loop3A_984 = %broadcast_in_dim3A_5, %parallel_loop3A_985 = %broadcast_in_dim3A_5, %parallel_loop3A_986 = %broadcast_in_dim3A_5, %parallel_loop3A_987 = %broadcast_in_dim3A_5, %parallel_loop3A_988 = %broadcast_in_dim3A_5, %parallel_loop3A_989 = %broadcast_in_dim3A_5, %parallel_loop3A_990 = %broadcast_in_dim3A_5) -> (vector<16xf32>, vector<16xf32>, vector<16xf32>, vector<16xf32>, vector<16xf32>, vector<16xf32>, vector<16xf32>)  : i32 {
        %parallel_loop3A_991 = arith.index_cast %parallel_loop3A_983 : i32 to index
        %parallel_loop3A_992 = arith.constant 0 : index
        %parallel_loop3A_993 = tpu.vector_load %arg6[%parallel_loop3A_991, %parallel_loop3A_992] {strides = array<i32>} : memref<224x128xf32, #tpu.memory_space<vmem>>, vector<1x16xf32>,
        %parallel_loop3A_994 = vector.shape_cast %parallel_loop3A_993 : vector<1x16xf32> to vector<16xf32>
        %parallel_loop3A_995 = arith.addf %parallel_loop3A_984, %parallel_loop3A_994 : vector<16xf32>
        %parallel_loop3A_996 = arith.index_cast %parallel_loop3A_983 : i32 to index
        %parallel_loop3A_997 = arith.constant 16 : index
        %parallel_loop3A_998 = tpu.vector_load %arg6[%parallel_loop3A_996, %parallel_loop3A_997] {strides = array<i32>} : memref<224x128xf32, #tpu.memory_space<vmem>>, vector<1x16xf32>,
        %parallel_loop3A_999 = vector.shape_cast %parallel_loop3A_998 : vector<1x16xf32> to vector<16xf32>
        %parallel_loop3A_1000 = arith.addf %parallel_loop3A_985, %parallel_loop3A_999 : vector<16xf32>
        %parallel_loop3A_1001 = arith.index_cast %parallel_loop3A_983 : i32 to index
        %parallel_loop3A_1002 = arith.constant 32 : index
        %parallel_loop3A_1003 = tpu.vector_load %arg6[%parallel_loop3A_1001, %parallel_loop3A_1002] {strides = array<i32>} : memref<224x128xf32, #tpu.memory_space<vmem>>, vector<1x16xf32>,
        %parallel_loop3A_1004 = vector.shape_cast %parallel_loop3A_1003 : vector<1x16xf32> to vector<16xf32>
        %parallel_loop3A_1005 = arith.addf %parallel_loop3A_986, %parallel_loop3A_1004 : vector<16xf32>
        %parallel_loop3A_1006 = arith.index_cast %parallel_loop3A_983 : i32 to index
        %parallel_loop3A_1007 = arith.constant 48 : index
        %parallel_loop3A_1008 = tpu.vector_load %arg6[%parallel_loop3A_1006, %parallel_loop3A_1007] {strides = array<i32>} : memref<224x128xf32, #tpu.memory_space<vmem>>, vector<1x16xf32>,
        %parallel_loop3A_1009 = vector.shape_cast %parallel_loop3A_1008 : vector<1x16xf32> to vector<16xf32>
        %parallel_loop3A_1010 = arith.addf %parallel_loop3A_987, %parallel_loop3A_1009 : vector<16xf32>
        %parallel_loop3A_1011 = arith.index_cast %parallel_loop3A_983 : i32 to index
        %parallel_loop3A_1012 = arith.constant 64 : index
        %parallel_loop3A_1013 = tpu.vector_load %arg6[%parallel_loop3A_1011, %parallel_loop3A_1012] {strides = array<i32>} : memref<224x128xf32, #tpu.memory_space<vmem>>, vector<1x16xf32>,
        %parallel_loop3A_1014 = vector.shape_cast %parallel_loop3A_1013 : vector<1x16xf32> to vector<16xf32>
        %parallel_loop3A_1015 = arith.addf %parallel_loop3A_988, %parallel_loop3A_1014 : vector<16xf32>
        %parallel_loop3A_1016 = arith.index_cast %parallel_loop3A_983 : i32 to index
        %parallel_loop3A_1017 = arith.constant 80 : index
        %parallel_loop3A_1018 = tpu.vector_load %arg6[%parallel_loop3A_1016, %parallel_loop3A_1017] {strides = array<i32>} : memref<224x128xf32, #tpu.memory_space<vmem>>, vector<1x16xf32>,
        %parallel_loop3A_1019 = vector.shape_cast %parallel_loop3A_1018 : vector<1x16xf32> to vector<16xf32>
        %parallel_loop3A_1020 = arith.addf %parallel_loop3A_989, %parallel_loop3A_1019 : vector<16xf32>
        %parallel_loop3A_1021 = arith.index_cast %parallel_loop3A_983 : i32 to index
        %parallel_loop3A_1022 = arith.constant 96 : index
        %parallel_loop3A_1023 = tpu.vector_load %arg6[%parallel_loop3A_1021, %parallel_loop3A_1022] {strides = array<i32>} : memref<224x128xf32, #tpu.memory_space<vmem>>, vector<1x16xf32>,
        %parallel_loop3A_1024 = vector.shape_cast %parallel_loop3A_1023 : vector<1x16xf32> to vector<16xf32>
        %parallel_loop3A_1025 = arith.addf %parallel_loop3A_990, %parallel_loop3A_1024 : vector<16xf32>
        scf.yield %parallel_loop3A_995, %parallel_loop3A_1000, %parallel_loop3A_1005, %parallel_loop3A_1010, %parallel_loop3A_1015, %parallel_loop3A_1020, %parallel_loop3A_1025 : vector<16xf32>, vector<16xf32>, vector<16xf32>, vector<16xf32>, vector<16xf32>, vector<16xf32>, vector<16xf32>
      } {sc.loop_unroll_factor = 4 : i64, sc.parallel_access}
      %rem3A_418 = arith.constant 16 : i32
      %rem3A_419 = arith.remsi %add3A_395, %rem3A_418 : i32
      %mul3A_420 = arith.constant 5.000000e-03 : f32
      %mul3A_421 = vector.broadcast %mul3A_420 : f32 to vector<16xf32>
      %mul3A_422 = arith.mulf %parallel_loop3A_413#0, %mul3A_421 : vector<16xf32>
      %max3A_423 = arith.constant 0.000000e+00 : f32
      %max3A_424 = vector.broadcast %max3A_423 : f32 to vector<16xf32>
      %max3A_425 = arith.maximumf %mul3A_422, %max3A_424 : vector<16xf32>
      %swap3A_426 = arith.index_cast %rem3A_419 : i32 to index
      %swap3A_427 = arith.constant 0 : index
      %swap3A_428 = tpu.vector_load %arg9[%swap3A_426, %swap3A_427] {strides = array<i32>} : memref<16x256xf32, #tpu.memory_space<vmem>>, vector<1x16xf32>,
      %swap3A_429 = vector.shape_cast %swap3A_428 : vector<1x16xf32> to vector<16xf32>
      %swap3A_430 = vector.shape_cast %max3A_425 : vector<16xf32> to vector<1x16xf32>
      tpu.vector_store %arg9[%swap3A_426, %swap3A_427], %swap3A_430 {strides = array<i32>} : memref<16x256xf32, #tpu.memory_space<vmem>>, vector<1x16xf32>,
      %mul3A_431 = arith.constant 5.000000e-03 : f32
      %mul3A_432 = vector.broadcast %mul3A_431 : f32 to vector<16xf32>
      %mul3A_433 = arith.mulf %parallel_loop3A_413#1, %mul3A_432 : vector<16xf32>
      %max3A_434 = arith.constant 0.000000e+00 : f32
      %max3A_435 = vector.broadcast %max3A_434 : f32 to vector<16xf32>
      %max3A_436 = arith.maximumf %mul3A_433, %max3A_435 : vector<16xf32>
      %swap3A_437 = arith.index_cast %rem3A_419 : i32 to index
      %swap3A_438 = arith.constant 16 : index
      %swap3A_439 = tpu.vector_load %arg9[%swap3A_437, %swap3A_438] {strides = array<i32>} : memref<16x256xf32, #tpu.memory_space<vmem>>, vector<1x16xf32>,
      %swap3A_440 = vector.shape_cast %swap3A_439 : vector<1x16xf32> to vector<16xf32>
      %swap3A_441 = vector.shape_cast %max3A_436 : vector<16xf32> to vector<1x16xf32>
      tpu.vector_store %arg9[%swap3A_437, %swap3A_438], %swap3A_441 {strides = array<i32>} : memref<16x256xf32, #tpu.memory_space<vmem>>, vector<1x16xf32>,
      %mul3A_442 = arith.constant 5.000000e-03 : f32
      %mul3A_443 = vector.broadcast %mul3A_442 : f32 to vector<16xf32>
      %mul3A_444 = arith.mulf %parallel_loop3A_413#2, %mul3A_443 : vector<16xf32>
      %max3A_445 = arith.constant 0.000000e+00 : f32
      %max3A_446 = vector.broadcast %max3A_445 : f32 to vector<16xf32>
      %max3A_447 = arith.maximumf %mul3A_444, %max3A_446 : vector<16xf32>
      %swap3A_448 = arith.index_cast %rem3A_419 : i32 to index
      %swap3A_449 = arith.constant 32 : index
      %swap3A_450 = tpu.vector_load %arg9[%swap3A_448, %swap3A_449] {strides = array<i32>} : memref<16x256xf32, #tpu.memory_space<vmem>>, vector<1x16xf32>,
      %swap3A_451 = vector.shape_cast %swap3A_450 : vector<1x16xf32> to vector<16xf32>
      %swap3A_452 = vector.shape_cast %max3A_447 : vector<16xf32> to vector<1x16xf32>
      tpu.vector_store %arg9[%swap3A_448, %swap3A_449], %swap3A_452 {strides = array<i32>} : memref<16x256xf32, #tpu.memory_space<vmem>>, vector<1x16xf32>,
      %mul3A_453 = arith.constant 5.000000e-03 : f32
      %mul3A_454 = vector.broadcast %mul3A_453 : f32 to vector<16xf32>
      %mul3A_455 = arith.mulf %parallel_loop3A_413#3, %mul3A_454 : vector<16xf32>
      %max3A_456 = arith.constant 0.000000e+00 : f32
      %max3A_457 = vector.broadcast %max3A_456 : f32 to vector<16xf32>
      %max3A_458 = arith.maximumf %mul3A_455, %max3A_457 : vector<16xf32>
      %swap3A_459 = arith.index_cast %rem3A_419 : i32 to index
      %swap3A_460 = arith.constant 48 : index
      %swap3A_461 = tpu.vector_load %arg9[%swap3A_459, %swap3A_460] {strides = array<i32>} : memref<16x256xf32, #tpu.memory_space<vmem>>, vector<1x16xf32>,
      %swap3A_462 = vector.shape_cast %swap3A_461 : vector<1x16xf32> to vector<16xf32>
      %swap3A_463 = vector.shape_cast %max3A_458 : vector<16xf32> to vector<1x16xf32>
      tpu.vector_store %arg9[%swap3A_459, %swap3A_460], %swap3A_463 {strides = array<i32>} : memref<16x256xf32, #tpu.memory_space<vmem>>, vector<1x16xf32>,
      %mul3A_464 = arith.constant 5.000000e-03 : f32
      %mul3A_465 = vector.broadcast %mul3A_464 : f32 to vector<16xf32>
      %mul3A_466 = arith.mulf %parallel_loop3A_413#4, %mul3A_465 : vector<16xf32>
      %max3A_467 = arith.constant 0.000000e+00 : f32
      %max3A_468 = vector.broadcast %max3A_467 : f32 to vector<16xf32>
      %max3A_469 = arith.maximumf %mul3A_466, %max3A_468 : vector<16xf32>
      %swap3A_470 = arith.index_cast %rem3A_419 : i32 to index
      %swap3A_471 = arith.constant 64 : index
      %swap3A_472 = tpu.vector_load %arg9[%swap3A_470, %swap3A_471] {strides = array<i32>} : memref<16x256xf32, #tpu.memory_space<vmem>>, vector<1x16xf32>,
      %swap3A_473 = vector.shape_cast %swap3A_472 : vector<1x16xf32> to vector<16xf32>
      %swap3A_474 = vector.shape_cast %max3A_469 : vector<16xf32> to vector<1x16xf32>
      tpu.vector_store %arg9[%swap3A_470, %swap3A_471], %swap3A_474 {strides = array<i32>} : memref<16x256xf32, #tpu.memory_space<vmem>>, vector<1x16xf32>,
      %mul3A_475 = arith.constant 5.000000e-03 : f32
      %mul3A_476 = vector.broadcast %mul3A_475 : f32 to vector<16xf32>
      %mul3A_477 = arith.mulf %parallel_loop3A_413#5, %mul3A_476 : vector<16xf32>
      %max3A_478 = arith.constant 0.000000e+00 : f32
      %max3A_479 = vector.broadcast %max3A_478 : f32 to vector<16xf32>
      %max3A_480 = arith.maximumf %mul3A_477, %max3A_479 : vector<16xf32>
      %swap3A_481 = arith.index_cast %rem3A_419 : i32 to index
      %swap3A_482 = arith.constant 80 : index
      %swap3A_483 = tpu.vector_load %arg9[%swap3A_481, %swap3A_482] {strides = array<i32>} : memref<16x256xf32, #tpu.memory_space<vmem>>, vector<1x16xf32>,
      %swap3A_484 = vector.shape_cast %swap3A_483 : vector<1x16xf32> to vector<16xf32>
      %swap3A_485 = vector.shape_cast %max3A_480 : vector<16xf32> to vector<1x16xf32>
      tpu.vector_store %arg9[%swap3A_481, %swap3A_482], %swap3A_485 {strides = array<i32>} : memref<16x256xf32, #tpu.memory_space<vmem>>, vector<1x16xf32>,
      %mul3A_486 = arith.constant 5.000000e-03 : f32
      %mul3A_487 = vector.broadcast %mul3A_486 : f32 to vector<16xf32>
      %mul3A_488 = arith.mulf %parallel_loop3A_413#6, %mul3A_487 : vector<16xf32>
      %max3A_489 = arith.constant 0.000000e+00 : f32
      %max3A_490 = vector.broadcast %max3A_489 : f32 to vector<16xf32>
      %max3A_491 = arith.maximumf %mul3A_488, %max3A_490 : vector<16xf32>
      %swap3A_492 = arith.index_cast %rem3A_419 : i32 to index
      %swap3A_493 = arith.constant 96 : index
      %swap3A_494 = tpu.vector_load %arg9[%swap3A_492, %swap3A_493] {strides = array<i32>} : memref<16x256xf32, #tpu.memory_space<vmem>>, vector<1x16xf32>,
      %swap3A_495 = vector.shape_cast %swap3A_494 : vector<1x16xf32> to vector<16xf32>
      %swap3A_496 = vector.shape_cast %max3A_491 : vector<16xf32> to vector<1x16xf32>
      tpu.vector_store %arg9[%swap3A_492, %swap3A_493], %swap3A_496 {strides = array<i32>} : memref<16x256xf32, #tpu.memory_space<vmem>>, vector<1x16xf32>,
      %mul3A_497 = arith.constant 5.000000e-02 : f32
      %mul3A_498 = vector.broadcast %mul3A_497 : f32 to vector<16xf32>
      %mul3A_499 = arith.mulf %parallel_loop3A_417#0, %mul3A_498 : vector<16xf32>
      %max3A_500 = arith.constant 0.000000e+00 : f32
      %max3A_501 = vector.broadcast %max3A_500 : f32 to vector<16xf32>
      %max3A_502 = arith.maximumf %mul3A_499, %max3A_501 : vector<16xf32>
      %swap3A_503 = arith.index_cast %rem3A_419 : i32 to index
      %swap3A_504 = arith.constant 112 : index
      %swap3A_505 = tpu.vector_load %arg9[%swap3A_503, %swap3A_504] {strides = array<i32>} : memref<16x256xf32, #tpu.memory_space<vmem>>, vector<1x16xf32>,
      %swap3A_506 = vector.shape_cast %swap3A_505 : vector<1x16xf32> to vector<16xf32>
      %swap3A_507 = vector.shape_cast %max3A_502 : vector<16xf32> to vector<1x16xf32>
      tpu.vector_store %arg9[%swap3A_503, %swap3A_504], %swap3A_507 {strides = array<i32>} : memref<16x256xf32, #tpu.memory_space<vmem>>, vector<1x16xf32>,
      %mul3A_508 = arith.constant 5.000000e-02 : f32
      %mul3A_509 = vector.broadcast %mul3A_508 : f32 to vector<16xf32>
      %mul3A_510 = arith.mulf %parallel_loop3A_417#1, %mul3A_509 : vector<16xf32>
      %max3A_511 = arith.constant 0.000000e+00 : f32
      %max3A_512 = vector.broadcast %max3A_511 : f32 to vector<16xf32>
      %max3A_513 = arith.maximumf %mul3A_510, %max3A_512 : vector<16xf32>
      %swap3A_514 = arith.index_cast %rem3A_419 : i32 to index
      %swap3A_515 = arith.constant 128 : index
      %swap3A_516 = tpu.vector_load %arg9[%swap3A_514, %swap3A_515] {strides = array<i32>} : memref<16x256xf32, #tpu.memory_space<vmem>>, vector<1x16xf32>,
      %swap3A_517 = vector.shape_cast %swap3A_516 : vector<1x16xf32> to vector<16xf32>
      %swap3A_518 = vector.shape_cast %max3A_513 : vector<16xf32> to vector<1x16xf32>
      tpu.vector_store %arg9[%swap3A_514, %swap3A_515], %swap3A_518 {strides = array<i32>} : memref<16x256xf32, #tpu.memory_space<vmem>>, vector<1x16xf32>,
      %mul3A_519 = arith.constant 5.000000e-02 : f32
      %mul3A_520 = vector.broadcast %mul3A_519 : f32 to vector<16xf32>
      %mul3A_521 = arith.mulf %parallel_loop3A_417#2, %mul3A_520 : vector<16xf32>
      %max3A_522 = arith.constant 0.000000e+00 : f32
      %max3A_523 = vector.broadcast %max3A_522 : f32 to vector<16xf32>
      %max3A_524 = arith.maximumf %mul3A_521, %max3A_523 : vector<16xf32>
      %swap3A_525 = arith.index_cast %rem3A_419 : i32 to index
      %swap3A_526 = arith.constant 144 : index
      %swap3A_527 = tpu.vector_load %arg9[%swap3A_525, %swap3A_526] {strides = array<i32>} : memref<16x256xf32, #tpu.memory_space<vmem>>, vector<1x16xf32>,
      %swap3A_528 = vector.shape_cast %swap3A_527 : vector<1x16xf32> to vector<16xf32>
      %swap3A_529 = vector.shape_cast %max3A_524 : vector<16xf32> to vector<1x16xf32>
      tpu.vector_store %arg9[%swap3A_525, %swap3A_526], %swap3A_529 {strides = array<i32>} : memref<16x256xf32, #tpu.memory_space<vmem>>, vector<1x16xf32>,
      %mul3A_530 = arith.constant 5.000000e-02 : f32
      %mul3A_531 = vector.broadcast %mul3A_530 : f32 to vector<16xf32>
      %mul3A_532 = arith.mulf %parallel_loop3A_417#3, %mul3A_531 : vector<16xf32>
      %max3A_533 = arith.constant 0.000000e+00 : f32
      %max3A_534 = vector.broadcast %max3A_533 : f32 to vector<16xf32>
      %max3A_535 = arith.maximumf %mul3A_532, %max3A_534 : vector<16xf32>
      %swap3A_536 = arith.index_cast %rem3A_419 : i32 to index
      %swap3A_537 = arith.constant 160 : index
      %swap3A_538 = tpu.vector_load %arg9[%swap3A_536, %swap3A_537] {strides = array<i32>} : memref<16x256xf32, #tpu.memory_space<vmem>>, vector<1x16xf32>,
      %swap3A_539 = vector.shape_cast %swap3A_538 : vector<1x16xf32> to vector<16xf32>
      %swap3A_540 = vector.shape_cast %max3A_535 : vector<16xf32> to vector<1x16xf32>
      tpu.vector_store %arg9[%swap3A_536, %swap3A_537], %swap3A_540 {strides = array<i32>} : memref<16x256xf32, #tpu.memory_space<vmem>>, vector<1x16xf32>,
      %mul3A_541 = arith.constant 5.000000e-02 : f32
      %mul3A_542 = vector.broadcast %mul3A_541 : f32 to vector<16xf32>
      %mul3A_543 = arith.mulf %parallel_loop3A_417#4, %mul3A_542 : vector<16xf32>
      %max3A_544 = arith.constant 0.000000e+00 : f32
      %max3A_545 = vector.broadcast %max3A_544 : f32 to vector<16xf32>
      %max3A_546 = arith.maximumf %mul3A_543, %max3A_545 : vector<16xf32>
      %swap3A_547 = arith.index_cast %rem3A_419 : i32 to index
      %swap3A_548 = arith.constant 176 : index
      %swap3A_549 = tpu.vector_load %arg9[%swap3A_547, %swap3A_548] {strides = array<i32>} : memref<16x256xf32, #tpu.memory_space<vmem>>, vector<1x16xf32>,
      %swap3A_550 = vector.shape_cast %swap3A_549 : vector<1x16xf32> to vector<16xf32>
      %swap3A_551 = vector.shape_cast %max3A_546 : vector<16xf32> to vector<1x16xf32>
      tpu.vector_store %arg9[%swap3A_547, %swap3A_548], %swap3A_551 {strides = array<i32>} : memref<16x256xf32, #tpu.memory_space<vmem>>, vector<1x16xf32>,
      %mul3A_552 = arith.constant 5.000000e-02 : f32
      %mul3A_553 = vector.broadcast %mul3A_552 : f32 to vector<16xf32>
      %mul3A_554 = arith.mulf %parallel_loop3A_417#5, %mul3A_553 : vector<16xf32>
      %max3A_555 = arith.constant 0.000000e+00 : f32
      %max3A_556 = vector.broadcast %max3A_555 : f32 to vector<16xf32>
      %max3A_557 = arith.maximumf %mul3A_554, %max3A_556 : vector<16xf32>
      %swap3A_558 = arith.index_cast %rem3A_419 : i32 to index
      %swap3A_559 = arith.constant 192 : index
      %swap3A_560 = tpu.vector_load %arg9[%swap3A_558, %swap3A_559] {strides = array<i32>} : memref<16x256xf32, #tpu.memory_space<vmem>>, vector<1x16xf32>,
      %swap3A_561 = vector.shape_cast %swap3A_560 : vector<1x16xf32> to vector<16xf32>
      %swap3A_562 = vector.shape_cast %max3A_557 : vector<16xf32> to vector<1x16xf32>
      tpu.vector_store %arg9[%swap3A_558, %swap3A_559], %swap3A_562 {strides = array<i32>} : memref<16x256xf32, #tpu.memory_space<vmem>>, vector<1x16xf32>,
      %mul3A_563 = arith.constant 5.000000e-02 : f32
      %mul3A_564 = vector.broadcast %mul3A_563 : f32 to vector<16xf32>
      %mul3A_565 = arith.mulf %parallel_loop3A_417#6, %mul3A_564 : vector<16xf32>
      %max3A_566 = arith.constant 0.000000e+00 : f32
      %max3A_567 = vector.broadcast %max3A_566 : f32 to vector<16xf32>
      %max3A_568 = arith.maximumf %mul3A_565, %max3A_567 : vector<16xf32>
      %swap3A_569 = arith.index_cast %rem3A_419 : i32 to index
      %swap3A_570 = arith.constant 208 : index
      %swap3A_571 = tpu.vector_load %arg9[%swap3A_569, %swap3A_570] {strides = array<i32>} : memref<16x256xf32, #tpu.memory_space<vmem>>, vector<1x16xf32>,
      %swap3A_572 = vector.shape_cast %swap3A_571 : vector<1x16xf32> to vector<16xf32>
      %swap3A_573 = vector.shape_cast %max3A_568 : vector<16xf32> to vector<1x16xf32>
      tpu.vector_store %arg9[%swap3A_569, %swap3A_570], %swap3A_573 {strides = array<i32>} : memref<16x256xf32, #tpu.memory_space<vmem>>, vector<1x16xf32>,
      %swap3A_574 = arith.index_cast %rem3A_419 : i32 to index
      %swap3A_575 = arith.constant 224 : index
      %swap3A_576 = tpu.vector_load %arg9[%swap3A_574, %swap3A_575] {strides = array<i32>} : memref<16x256xf32, #tpu.memory_space<vmem>>, vector<1x16xf32>,
      %swap3A_577 = vector.shape_cast %swap3A_576 : vector<1x16xf32> to vector<16xf32>
      %swap3A_578 = vector.shape_cast %broadcast_in_dim3A_5 : vector<16xf32> to vector<1x16xf32>
      tpu.vector_store %arg9[%swap3A_574, %swap3A_575], %swap3A_578 {strides = array<i32>} : memref<16x256xf32, #tpu.memory_space<vmem>>, vector<1x16xf32>,
      %swap3A_579 = arith.index_cast %rem3A_419 : i32 to index
      %swap3A_580 = arith.constant 240 : index
      %swap3A_581 = tpu.vector_load %arg9[%swap3A_579, %swap3A_580] {strides = array<i32>} : memref<16x256xf32, #tpu.memory_space<vmem>>, vector<1x16xf32>,
      %swap3A_582 = vector.shape_cast %swap3A_581 : vector<1x16xf32> to vector<16xf32>
      %swap3A_583 = vector.shape_cast %broadcast_in_dim3A_5 : vector<16xf32> to vector<1x16xf32>
      tpu.vector_store %arg9[%swap3A_579, %swap3A_580], %swap3A_583 {strides = array<i32>} : memref<16x256xf32, #tpu.memory_space<vmem>>, vector<1x16xf32>,
      %eq3A_584 = arith.constant 15 : i32
      %eq3A_585 = arith.cmpi eq, %rem3A_419, %eq3A_584 : i32
      %convert_element_type3A_586 = arith.extui %eq3A_585 : i1 to i32
      %cond3A_587 = arith.constant 0 : i32
      %cond3A_588 = arith.cmpi ne, %convert_element_type3A_586, %cond3A_587 : i32
      scf.if %cond3A_588 {
        %add3A_983 = arith.addi %mul3A_2, %add3A_395 : i32
        %sub3A = arith.constant 15 : i32
        %sub3A_984 = arith.subi %add3A_983, %sub3A : i32
        %multiple_of3A = tpu.assume_multiple %sub3A_984, 16 : i32
        "tpu.region"() ({
          %run_scoped3A = tpu.sem_alloc : memref<!tpu.dma_semaphore, #tpu.memory_space<semaphore_mem>>
          %dma_start3A_985 = arith.constant 0 : i32
          %dma_start3A_986 = tpu.memref_slice %arg4[%multiple_of3A, %dma_start3A_985] : memref<4096x256xf32, #tpu.memory_space<hbm>> -> memref<16x256xf32, #tpu.memory_space<hbm>>
          %dma_start3A_987 = arith.constant 0 : i32
          %dma_start3A_988 = tpu.memref_slice %arg4[%multiple_of3A, %dma_start3A_987] : memref<4096x256xf32, #tpu.memory_space<hbm>> -> memref<16x256xf32, #tpu.memory_space<hbm>>
          tpu.enqueue_dma source(%arg9 : memref<16x256xf32, #tpu.memory_space<vmem>>) target(%dma_start3A_988 : memref<16x256xf32, #tpu.memory_space<hbm>>) target_semaphore(%run_scoped3A : memref<!tpu.dma_semaphore, #tpu.memory_space<semaphore_mem>>)
          %dma_wait3A_989 = arith.constant 0 : i32
          %dma_wait3A_990 = tpu.memref_slice %arg4[%multiple_of3A, %dma_wait3A_989] : memref<4096x256xf32, #tpu.memory_space<hbm>> -> memref<16x256xf32, #tpu.memory_space<hbm>>
          %dma_wait3A_991 = arith.constant 0 : i32
          %dma_wait3A_992 = tpu.memref_slice %arg4[%multiple_of3A, %dma_wait3A_991] : memref<4096x256xf32, #tpu.memory_space<hbm>> -> memref<16x256xf32, #tpu.memory_space<hbm>>
          tpu.wait_dma2 semaphore(%run_scoped3A : memref<!tpu.dma_semaphore, #tpu.memory_space<semaphore_mem>>) src(%arg9 : memref<16x256xf32, #tpu.memory_space<vmem>>) dst(%dma_wait3A_992 : memref<16x256xf32, #tpu.memory_space<hbm>>)
          tpu.yield
        }) : () -> ()
      } else {
      }
      %mul3A_589 = arith.constant 3 : i32
      %mul3A_590 = arith.muli %mul3A_589, %scan3A_391 : i32
      %add3A_591 = arith.constant 1 : i32
      %add3A_592 = arith.addi %mul3A_590, %add3A_591 : i32
      %mul3A_593 = arith.constant 256 : i32
      %mul3A_594 = arith.muli %add3A_592, %mul3A_593 : i32
      %dma_wait3A_595 = tpu.memref_slice %arg5[%mul3A_594] : memref<32768xi32, #tpu.memory_space<vmem>> -> memref<224xi32, #tpu.memory_space<vmem>>
      %dma_wait3A_596 = arith.constant 0 : i32
      %dma_wait3A_597 = arith.constant 0 : i32
      %dma_wait3A_598 = tpu.memref_slice %arg3[%dma_wait3A_596, %dma_wait3A_597] : memref<1000000x128xf32, #tpu.memory_space<hbm>> -> memref<1000000x128xf32, #tpu.memory_space<hbm>>
      tpu.wait_indirect_dma semaphore(%arg11 : memref<!tpu.dma_semaphore, #tpu.memory_space<semaphore_mem>>) src(%dma_wait3A_598 : memref<1000000x128xf32, #tpu.memory_space<hbm>>) dst(%arg7 : memref<224x128xf32, #tpu.memory_space<vmem>>)
      %add3A_599 = arith.constant 2 : i32
      %add3A_600 = arith.addi %add3A_592, %add3A_599 : i32
      %mul3A_601 = arith.constant 256 : i32
      %mul3A_602 = arith.muli %add3A_600, %mul3A_601 : i32
      %dma_start3A_603 = tpu.memref_slice %arg5[%mul3A_602] : memref<32768xi32, #tpu.memory_space<vmem>> -> memref<224xi32, #tpu.memory_space<vmem>>
      %dma_start3A_604 = arith.constant 0 : i32
      %dma_start3A_605 = arith.constant 0 : i32
      %dma_start3A_606 = tpu.memref_slice %arg3[%dma_start3A_604, %dma_start3A_605] : memref<1000000x128xf32, #tpu.memory_space<hbm>> -> memref<1000000x128xf32, #tpu.memory_space<hbm>>
      tpu.enqueue_indirect_dma source(%dma_start3A_606 : memref<1000000x128xf32, #tpu.memory_space<hbm>>) target(%arg6 : memref<224x128xf32, #tpu.memory_space<vmem>>) offsets(%dma_start3A_603 : memref<224xi32, #tpu.memory_space<vmem>>) semaphore(%arg10 : memref<!tpu.dma_semaphore, #tpu.memory_space<semaphore_mem>>)
      %parallel_loop3A_607 = arith.constant 0 : i32
      %parallel_loop3A_608 = arith.constant 200 : i32
      %parallel_loop3A_609 = arith.constant 1 : i32
      %parallel_loop3A_610:7 = scf.for %parallel_loop3A_983 = %parallel_loop3A_607 to %parallel_loop3A_608 step %parallel_loop3A_609 iter_args(%parallel_loop3A_984 = %broadcast_in_dim3A_5, %parallel_loop3A_985 = %broadcast_in_dim3A_5, %parallel_loop3A_986 = %broadcast_in_dim3A_5, %parallel_loop3A_987 = %broadcast_in_dim3A_5, %parallel_loop3A_988 = %broadcast_in_dim3A_5, %parallel_loop3A_989 = %broadcast_in_dim3A_5, %parallel_loop3A_990 = %broadcast_in_dim3A_5) -> (vector<16xf32>, vector<16xf32>, vector<16xf32>, vector<16xf32>, vector<16xf32>, vector<16xf32>, vector<16xf32>)  : i32 {
        %parallel_loop3A_991 = arith.index_cast %parallel_loop3A_983 : i32 to index
        %parallel_loop3A_992 = arith.constant 0 : index
        %parallel_loop3A_993 = tpu.vector_load %arg7[%parallel_loop3A_991, %parallel_loop3A_992] {strides = array<i32>} : memref<224x128xf32, #tpu.memory_space<vmem>>, vector<1x16xf32>,
        %parallel_loop3A_994 = vector.shape_cast %parallel_loop3A_993 : vector<1x16xf32> to vector<16xf32>
        %parallel_loop3A_995 = arith.addf %parallel_loop3A_984, %parallel_loop3A_994 : vector<16xf32>
        %parallel_loop3A_996 = arith.index_cast %parallel_loop3A_983 : i32 to index
        %parallel_loop3A_997 = arith.constant 16 : index
        %parallel_loop3A_998 = tpu.vector_load %arg7[%parallel_loop3A_996, %parallel_loop3A_997] {strides = array<i32>} : memref<224x128xf32, #tpu.memory_space<vmem>>, vector<1x16xf32>,
        %parallel_loop3A_999 = vector.shape_cast %parallel_loop3A_998 : vector<1x16xf32> to vector<16xf32>
        %parallel_loop3A_1000 = arith.addf %parallel_loop3A_985, %parallel_loop3A_999 : vector<16xf32>
        %parallel_loop3A_1001 = arith.index_cast %parallel_loop3A_983 : i32 to index
        %parallel_loop3A_1002 = arith.constant 32 : index
        %parallel_loop3A_1003 = tpu.vector_load %arg7[%parallel_loop3A_1001, %parallel_loop3A_1002] {strides = array<i32>} : memref<224x128xf32, #tpu.memory_space<vmem>>, vector<1x16xf32>,
        %parallel_loop3A_1004 = vector.shape_cast %parallel_loop3A_1003 : vector<1x16xf32> to vector<16xf32>
        %parallel_loop3A_1005 = arith.addf %parallel_loop3A_986, %parallel_loop3A_1004 : vector<16xf32>
        %parallel_loop3A_1006 = arith.index_cast %parallel_loop3A_983 : i32 to index
        %parallel_loop3A_1007 = arith.constant 48 : index
        %parallel_loop3A_1008 = tpu.vector_load %arg7[%parallel_loop3A_1006, %parallel_loop3A_1007] {strides = array<i32>} : memref<224x128xf32, #tpu.memory_space<vmem>>, vector<1x16xf32>,
        %parallel_loop3A_1009 = vector.shape_cast %parallel_loop3A_1008 : vector<1x16xf32> to vector<16xf32>
        %parallel_loop3A_1010 = arith.addf %parallel_loop3A_987, %parallel_loop3A_1009 : vector<16xf32>
        %parallel_loop3A_1011 = arith.index_cast %parallel_loop3A_983 : i32 to index
        %parallel_loop3A_1012 = arith.constant 64 : index
        %parallel_loop3A_1013 = tpu.vector_load %arg7[%parallel_loop3A_1011, %parallel_loop3A_1012] {strides = array<i32>} : memref<224x128xf32, #tpu.memory_space<vmem>>, vector<1x16xf32>,
        %parallel_loop3A_1014 = vector.shape_cast %parallel_loop3A_1013 : vector<1x16xf32> to vector<16xf32>
        %parallel_loop3A_1015 = arith.addf %parallel_loop3A_988, %parallel_loop3A_1014 : vector<16xf32>
        %parallel_loop3A_1016 = arith.index_cast %parallel_loop3A_983 : i32 to index
        %parallel_loop3A_1017 = arith.constant 80 : index
        %parallel_loop3A_1018 = tpu.vector_load %arg7[%parallel_loop3A_1016, %parallel_loop3A_1017] {strides = array<i32>} : memref<224x128xf32, #tpu.memory_space<vmem>>, vector<1x16xf32>,
        %parallel_loop3A_1019 = vector.shape_cast %parallel_loop3A_1018 : vector<1x16xf32> to vector<16xf32>
        %parallel_loop3A_1020 = arith.addf %parallel_loop3A_989, %parallel_loop3A_1019 : vector<16xf32>
        %parallel_loop3A_1021 = arith.index_cast %parallel_loop3A_983 : i32 to index
        %parallel_loop3A_1022 = arith.constant 96 : index
        %parallel_loop3A_1023 = tpu.vector_load %arg7[%parallel_loop3A_1021, %parallel_loop3A_1022] {strides = array<i32>} : memref<224x128xf32, #tpu.memory_space<vmem>>, vector<1x16xf32>,
        %parallel_loop3A_1024 = vector.shape_cast %parallel_loop3A_1023 : vector<1x16xf32> to vector<16xf32>
        %parallel_loop3A_1025 = arith.addf %parallel_loop3A_990, %parallel_loop3A_1024 : vector<16xf32>
        scf.yield %parallel_loop3A_995, %parallel_loop3A_1000, %parallel_loop3A_1005, %parallel_loop3A_1010, %parallel_loop3A_1015, %parallel_loop3A_1020, %parallel_loop3A_1025 : vector<16xf32>, vector<16xf32>, vector<16xf32>, vector<16xf32>, vector<16xf32>, vector<16xf32>, vector<16xf32>
      } {sc.loop_unroll_factor = 4 : i64, sc.parallel_access}
      %parallel_loop3A_611 = arith.constant 200 : i32
      %parallel_loop3A_612 = arith.constant 220 : i32
      %parallel_loop3A_613 = arith.constant 1 : i32
      %parallel_loop3A_614:7 = scf.for %parallel_loop3A_983 = %parallel_loop3A_611 to %parallel_loop3A_612 step %parallel_loop3A_613 iter_args(%parallel_loop3A_984 = %broadcast_in_dim3A_5, %parallel_loop3A_985 = %broadcast_in_dim3A_5, %parallel_loop3A_986 = %broadcast_in_dim3A_5, %parallel_loop3A_987 = %broadcast_in_dim3A_5, %parallel_loop3A_988 = %broadcast_in_dim3A_5, %parallel_loop3A_989 = %broadcast_in_dim3A_5, %parallel_loop3A_990 = %broadcast_in_dim3A_5) -> (vector<16xf32>, vector<16xf32>, vector<16xf32>, vector<16xf32>, vector<16xf32>, vector<16xf32>, vector<16xf32>)  : i32 {
        %parallel_loop3A_991 = arith.index_cast %parallel_loop3A_983 : i32 to index
        %parallel_loop3A_992 = arith.constant 0 : index
        %parallel_loop3A_993 = tpu.vector_load %arg7[%parallel_loop3A_991, %parallel_loop3A_992] {strides = array<i32>} : memref<224x128xf32, #tpu.memory_space<vmem>>, vector<1x16xf32>,
        %parallel_loop3A_994 = vector.shape_cast %parallel_loop3A_993 : vector<1x16xf32> to vector<16xf32>
        %parallel_loop3A_995 = arith.addf %parallel_loop3A_984, %parallel_loop3A_994 : vector<16xf32>
        %parallel_loop3A_996 = arith.index_cast %parallel_loop3A_983 : i32 to index
        %parallel_loop3A_997 = arith.constant 16 : index
        %parallel_loop3A_998 = tpu.vector_load %arg7[%parallel_loop3A_996, %parallel_loop3A_997] {strides = array<i32>} : memref<224x128xf32, #tpu.memory_space<vmem>>, vector<1x16xf32>,
        %parallel_loop3A_999 = vector.shape_cast %parallel_loop3A_998 : vector<1x16xf32> to vector<16xf32>
        %parallel_loop3A_1000 = arith.addf %parallel_loop3A_985, %parallel_loop3A_999 : vector<16xf32>
        %parallel_loop3A_1001 = arith.index_cast %parallel_loop3A_983 : i32 to index
        %parallel_loop3A_1002 = arith.constant 32 : index
        %parallel_loop3A_1003 = tpu.vector_load %arg7[%parallel_loop3A_1001, %parallel_loop3A_1002] {strides = array<i32>} : memref<224x128xf32, #tpu.memory_space<vmem>>, vector<1x16xf32>,
        %parallel_loop3A_1004 = vector.shape_cast %parallel_loop3A_1003 : vector<1x16xf32> to vector<16xf32>
        %parallel_loop3A_1005 = arith.addf %parallel_loop3A_986, %parallel_loop3A_1004 : vector<16xf32>
        %parallel_loop3A_1006 = arith.index_cast %parallel_loop3A_983 : i32 to index
        %parallel_loop3A_1007 = arith.constant 48 : index
        %parallel_loop3A_1008 = tpu.vector_load %arg7[%parallel_loop3A_1006, %parallel_loop3A_1007] {strides = array<i32>} : memref<224x128xf32, #tpu.memory_space<vmem>>, vector<1x16xf32>,
        %parallel_loop3A_1009 = vector.shape_cast %parallel_loop3A_1008 : vector<1x16xf32> to vector<16xf32>
        %parallel_loop3A_1010 = arith.addf %parallel_loop3A_987, %parallel_loop3A_1009 : vector<16xf32>
        %parallel_loop3A_1011 = arith.index_cast %parallel_loop3A_983 : i32 to index
        %parallel_loop3A_1012 = arith.constant 64 : index
        %parallel_loop3A_1013 = tpu.vector_load %arg7[%parallel_loop3A_1011, %parallel_loop3A_1012] {strides = array<i32>} : memref<224x128xf32, #tpu.memory_space<vmem>>, vector<1x16xf32>,
        %parallel_loop3A_1014 = vector.shape_cast %parallel_loop3A_1013 : vector<1x16xf32> to vector<16xf32>
        %parallel_loop3A_1015 = arith.addf %parallel_loop3A_988, %parallel_loop3A_1014 : vector<16xf32>
        %parallel_loop3A_1016 = arith.index_cast %parallel_loop3A_983 : i32 to index
        %parallel_loop3A_1017 = arith.constant 80 : index
        %parallel_loop3A_1018 = tpu.vector_load %arg7[%parallel_loop3A_1016, %parallel_loop3A_1017] {strides = array<i32>} : memref<224x128xf32, #tpu.memory_space<vmem>>, vector<1x16xf32>,
        %parallel_loop3A_1019 = vector.shape_cast %parallel_loop3A_1018 : vector<1x16xf32> to vector<16xf32>
        %parallel_loop3A_1020 = arith.addf %parallel_loop3A_989, %parallel_loop3A_1019 : vector<16xf32>
        %parallel_loop3A_1021 = arith.index_cast %parallel_loop3A_983 : i32 to index
        %parallel_loop3A_1022 = arith.constant 96 : index
        %parallel_loop3A_1023 = tpu.vector_load %arg7[%parallel_loop3A_1021, %parallel_loop3A_1022] {strides = array<i32>} : memref<224x128xf32, #tpu.memory_space<vmem>>, vector<1x16xf32>,
        %parallel_loop3A_1024 = vector.shape_cast %parallel_loop3A_1023 : vector<1x16xf32> to vector<16xf32>
        %parallel_loop3A_1025 = arith.addf %parallel_loop3A_990, %parallel_loop3A_1024 : vector<16xf32>
        scf.yield %parallel_loop3A_995, %parallel_loop3A_1000, %parallel_loop3A_1005, %parallel_loop3A_1010, %parallel_loop3A_1015, %parallel_loop3A_1020, %parallel_loop3A_1025 : vector<16xf32>, vector<16xf32>, vector<16xf32>, vector<16xf32>, vector<16xf32>, vector<16xf32>, vector<16xf32>
      } {sc.loop_unroll_factor = 4 : i64, sc.parallel_access}
      %rem3A_615 = arith.constant 16 : i32
      %rem3A_616 = arith.remsi %add3A_592, %rem3A_615 : i32
      %mul3A_617 = arith.constant 5.000000e-03 : f32
      %mul3A_618 = vector.broadcast %mul3A_617 : f32 to vector<16xf32>
      %mul3A_619 = arith.mulf %parallel_loop3A_610#0, %mul3A_618 : vector<16xf32>
      %max3A_620 = arith.constant 0.000000e+00 : f32
      %max3A_621 = vector.broadcast %max3A_620 : f32 to vector<16xf32>
      %max3A_622 = arith.maximumf %mul3A_619, %max3A_621 : vector<16xf32>
      %swap3A_623 = arith.index_cast %rem3A_616 : i32 to index
      %swap3A_624 = arith.constant 0 : index
      %swap3A_625 = tpu.vector_load %arg9[%swap3A_623, %swap3A_624] {strides = array<i32>} : memref<16x256xf32, #tpu.memory_space<vmem>>, vector<1x16xf32>,
      %swap3A_626 = vector.shape_cast %swap3A_625 : vector<1x16xf32> to vector<16xf32>
      %swap3A_627 = vector.shape_cast %max3A_622 : vector<16xf32> to vector<1x16xf32>
      tpu.vector_store %arg9[%swap3A_623, %swap3A_624], %swap3A_627 {strides = array<i32>} : memref<16x256xf32, #tpu.memory_space<vmem>>, vector<1x16xf32>,
      %mul3A_628 = arith.constant 5.000000e-03 : f32
      %mul3A_629 = vector.broadcast %mul3A_628 : f32 to vector<16xf32>
      %mul3A_630 = arith.mulf %parallel_loop3A_610#1, %mul3A_629 : vector<16xf32>
      %max3A_631 = arith.constant 0.000000e+00 : f32
      %max3A_632 = vector.broadcast %max3A_631 : f32 to vector<16xf32>
      %max3A_633 = arith.maximumf %mul3A_630, %max3A_632 : vector<16xf32>
      %swap3A_634 = arith.index_cast %rem3A_616 : i32 to index
      %swap3A_635 = arith.constant 16 : index
      %swap3A_636 = tpu.vector_load %arg9[%swap3A_634, %swap3A_635] {strides = array<i32>} : memref<16x256xf32, #tpu.memory_space<vmem>>, vector<1x16xf32>,
      %swap3A_637 = vector.shape_cast %swap3A_636 : vector<1x16xf32> to vector<16xf32>
      %swap3A_638 = vector.shape_cast %max3A_633 : vector<16xf32> to vector<1x16xf32>
      tpu.vector_store %arg9[%swap3A_634, %swap3A_635], %swap3A_638 {strides = array<i32>} : memref<16x256xf32, #tpu.memory_space<vmem>>, vector<1x16xf32>,
      %mul3A_639 = arith.constant 5.000000e-03 : f32
      %mul3A_640 = vector.broadcast %mul3A_639 : f32 to vector<16xf32>
      %mul3A_641 = arith.mulf %parallel_loop3A_610#2, %mul3A_640 : vector<16xf32>
      %max3A_642 = arith.constant 0.000000e+00 : f32
      %max3A_643 = vector.broadcast %max3A_642 : f32 to vector<16xf32>
      %max3A_644 = arith.maximumf %mul3A_641, %max3A_643 : vector<16xf32>
      %swap3A_645 = arith.index_cast %rem3A_616 : i32 to index
      %swap3A_646 = arith.constant 32 : index
      %swap3A_647 = tpu.vector_load %arg9[%swap3A_645, %swap3A_646] {strides = array<i32>} : memref<16x256xf32, #tpu.memory_space<vmem>>, vector<1x16xf32>,
      %swap3A_648 = vector.shape_cast %swap3A_647 : vector<1x16xf32> to vector<16xf32>
      %swap3A_649 = vector.shape_cast %max3A_644 : vector<16xf32> to vector<1x16xf32>
      tpu.vector_store %arg9[%swap3A_645, %swap3A_646], %swap3A_649 {strides = array<i32>} : memref<16x256xf32, #tpu.memory_space<vmem>>, vector<1x16xf32>,
      %mul3A_650 = arith.constant 5.000000e-03 : f32
      %mul3A_651 = vector.broadcast %mul3A_650 : f32 to vector<16xf32>
      %mul3A_652 = arith.mulf %parallel_loop3A_610#3, %mul3A_651 : vector<16xf32>
      %max3A_653 = arith.constant 0.000000e+00 : f32
      %max3A_654 = vector.broadcast %max3A_653 : f32 to vector<16xf32>
      %max3A_655 = arith.maximumf %mul3A_652, %max3A_654 : vector<16xf32>
      %swap3A_656 = arith.index_cast %rem3A_616 : i32 to index
      %swap3A_657 = arith.constant 48 : index
      %swap3A_658 = tpu.vector_load %arg9[%swap3A_656, %swap3A_657] {strides = array<i32>} : memref<16x256xf32, #tpu.memory_space<vmem>>, vector<1x16xf32>,
      %swap3A_659 = vector.shape_cast %swap3A_658 : vector<1x16xf32> to vector<16xf32>
      %swap3A_660 = vector.shape_cast %max3A_655 : vector<16xf32> to vector<1x16xf32>
      tpu.vector_store %arg9[%swap3A_656, %swap3A_657], %swap3A_660 {strides = array<i32>} : memref<16x256xf32, #tpu.memory_space<vmem>>, vector<1x16xf32>,
      %mul3A_661 = arith.constant 5.000000e-03 : f32
      %mul3A_662 = vector.broadcast %mul3A_661 : f32 to vector<16xf32>
      %mul3A_663 = arith.mulf %parallel_loop3A_610#4, %mul3A_662 : vector<16xf32>
      %max3A_664 = arith.constant 0.000000e+00 : f32
      %max3A_665 = vector.broadcast %max3A_664 : f32 to vector<16xf32>
      %max3A_666 = arith.maximumf %mul3A_663, %max3A_665 : vector<16xf32>
      %swap3A_667 = arith.index_cast %rem3A_616 : i32 to index
      %swap3A_668 = arith.constant 64 : index
      %swap3A_669 = tpu.vector_load %arg9[%swap3A_667, %swap3A_668] {strides = array<i32>} : memref<16x256xf32, #tpu.memory_space<vmem>>, vector<1x16xf32>,
      %swap3A_670 = vector.shape_cast %swap3A_669 : vector<1x16xf32> to vector<16xf32>
      %swap3A_671 = vector.shape_cast %max3A_666 : vector<16xf32> to vector<1x16xf32>
      tpu.vector_store %arg9[%swap3A_667, %swap3A_668], %swap3A_671 {strides = array<i32>} : memref<16x256xf32, #tpu.memory_space<vmem>>, vector<1x16xf32>,
      %mul3A_672 = arith.constant 5.000000e-03 : f32
      %mul3A_673 = vector.broadcast %mul3A_672 : f32 to vector<16xf32>
      %mul3A_674 = arith.mulf %parallel_loop3A_610#5, %mul3A_673 : vector<16xf32>
      %max3A_675 = arith.constant 0.000000e+00 : f32
      %max3A_676 = vector.broadcast %max3A_675 : f32 to vector<16xf32>
      %max3A_677 = arith.maximumf %mul3A_674, %max3A_676 : vector<16xf32>
      %swap3A_678 = arith.index_cast %rem3A_616 : i32 to index
      %swap3A_679 = arith.constant 80 : index
      %swap3A_680 = tpu.vector_load %arg9[%swap3A_678, %swap3A_679] {strides = array<i32>} : memref<16x256xf32, #tpu.memory_space<vmem>>, vector<1x16xf32>,
      %swap3A_681 = vector.shape_cast %swap3A_680 : vector<1x16xf32> to vector<16xf32>
      %swap3A_682 = vector.shape_cast %max3A_677 : vector<16xf32> to vector<1x16xf32>
      tpu.vector_store %arg9[%swap3A_678, %swap3A_679], %swap3A_682 {strides = array<i32>} : memref<16x256xf32, #tpu.memory_space<vmem>>, vector<1x16xf32>,
      %mul3A_683 = arith.constant 5.000000e-03 : f32
      %mul3A_684 = vector.broadcast %mul3A_683 : f32 to vector<16xf32>
      %mul3A_685 = arith.mulf %parallel_loop3A_610#6, %mul3A_684 : vector<16xf32>
      %max3A_686 = arith.constant 0.000000e+00 : f32
      %max3A_687 = vector.broadcast %max3A_686 : f32 to vector<16xf32>
      %max3A_688 = arith.maximumf %mul3A_685, %max3A_687 : vector<16xf32>
      %swap3A_689 = arith.index_cast %rem3A_616 : i32 to index
      %swap3A_690 = arith.constant 96 : index
      %swap3A_691 = tpu.vector_load %arg9[%swap3A_689, %swap3A_690] {strides = array<i32>} : memref<16x256xf32, #tpu.memory_space<vmem>>, vector<1x16xf32>,
      %swap3A_692 = vector.shape_cast %swap3A_691 : vector<1x16xf32> to vector<16xf32>
      %swap3A_693 = vector.shape_cast %max3A_688 : vector<16xf32> to vector<1x16xf32>
      tpu.vector_store %arg9[%swap3A_689, %swap3A_690], %swap3A_693 {strides = array<i32>} : memref<16x256xf32, #tpu.memory_space<vmem>>, vector<1x16xf32>,
      %mul3A_694 = arith.constant 5.000000e-02 : f32
      %mul3A_695 = vector.broadcast %mul3A_694 : f32 to vector<16xf32>
      %mul3A_696 = arith.mulf %parallel_loop3A_614#0, %mul3A_695 : vector<16xf32>
      %max3A_697 = arith.constant 0.000000e+00 : f32
      %max3A_698 = vector.broadcast %max3A_697 : f32 to vector<16xf32>
      %max3A_699 = arith.maximumf %mul3A_696, %max3A_698 : vector<16xf32>
      %swap3A_700 = arith.index_cast %rem3A_616 : i32 to index
      %swap3A_701 = arith.constant 112 : index
      %swap3A_702 = tpu.vector_load %arg9[%swap3A_700, %swap3A_701] {strides = array<i32>} : memref<16x256xf32, #tpu.memory_space<vmem>>, vector<1x16xf32>,
      %swap3A_703 = vector.shape_cast %swap3A_702 : vector<1x16xf32> to vector<16xf32>
      %swap3A_704 = vector.shape_cast %max3A_699 : vector<16xf32> to vector<1x16xf32>
      tpu.vector_store %arg9[%swap3A_700, %swap3A_701], %swap3A_704 {strides = array<i32>} : memref<16x256xf32, #tpu.memory_space<vmem>>, vector<1x16xf32>,
      %mul3A_705 = arith.constant 5.000000e-02 : f32
      %mul3A_706 = vector.broadcast %mul3A_705 : f32 to vector<16xf32>
      %mul3A_707 = arith.mulf %parallel_loop3A_614#1, %mul3A_706 : vector<16xf32>
      %max3A_708 = arith.constant 0.000000e+00 : f32
      %max3A_709 = vector.broadcast %max3A_708 : f32 to vector<16xf32>
      %max3A_710 = arith.maximumf %mul3A_707, %max3A_709 : vector<16xf32>
      %swap3A_711 = arith.index_cast %rem3A_616 : i32 to index
      %swap3A_712 = arith.constant 128 : index
      %swap3A_713 = tpu.vector_load %arg9[%swap3A_711, %swap3A_712] {strides = array<i32>} : memref<16x256xf32, #tpu.memory_space<vmem>>, vector<1x16xf32>,
      %swap3A_714 = vector.shape_cast %swap3A_713 : vector<1x16xf32> to vector<16xf32>
      %swap3A_715 = vector.shape_cast %max3A_710 : vector<16xf32> to vector<1x16xf32>
      tpu.vector_store %arg9[%swap3A_711, %swap3A_712], %swap3A_715 {strides = array<i32>} : memref<16x256xf32, #tpu.memory_space<vmem>>, vector<1x16xf32>,
      %mul3A_716 = arith.constant 5.000000e-02 : f32
      %mul3A_717 = vector.broadcast %mul3A_716 : f32 to vector<16xf32>
      %mul3A_718 = arith.mulf %parallel_loop3A_614#2, %mul3A_717 : vector<16xf32>
      %max3A_719 = arith.constant 0.000000e+00 : f32
      %max3A_720 = vector.broadcast %max3A_719 : f32 to vector<16xf32>
      %max3A_721 = arith.maximumf %mul3A_718, %max3A_720 : vector<16xf32>
      %swap3A_722 = arith.index_cast %rem3A_616 : i32 to index
      %swap3A_723 = arith.constant 144 : index
      %swap3A_724 = tpu.vector_load %arg9[%swap3A_722, %swap3A_723] {strides = array<i32>} : memref<16x256xf32, #tpu.memory_space<vmem>>, vector<1x16xf32>,
      %swap3A_725 = vector.shape_cast %swap3A_724 : vector<1x16xf32> to vector<16xf32>
      %swap3A_726 = vector.shape_cast %max3A_721 : vector<16xf32> to vector<1x16xf32>
      tpu.vector_store %arg9[%swap3A_722, %swap3A_723], %swap3A_726 {strides = array<i32>} : memref<16x256xf32, #tpu.memory_space<vmem>>, vector<1x16xf32>,
      %mul3A_727 = arith.constant 5.000000e-02 : f32
      %mul3A_728 = vector.broadcast %mul3A_727 : f32 to vector<16xf32>
      %mul3A_729 = arith.mulf %parallel_loop3A_614#3, %mul3A_728 : vector<16xf32>
      %max3A_730 = arith.constant 0.000000e+00 : f32
      %max3A_731 = vector.broadcast %max3A_730 : f32 to vector<16xf32>
      %max3A_732 = arith.maximumf %mul3A_729, %max3A_731 : vector<16xf32>
      %swap3A_733 = arith.index_cast %rem3A_616 : i32 to index
      %swap3A_734 = arith.constant 160 : index
      %swap3A_735 = tpu.vector_load %arg9[%swap3A_733, %swap3A_734] {strides = array<i32>} : memref<16x256xf32, #tpu.memory_space<vmem>>, vector<1x16xf32>,
      %swap3A_736 = vector.shape_cast %swap3A_735 : vector<1x16xf32> to vector<16xf32>
      %swap3A_737 = vector.shape_cast %max3A_732 : vector<16xf32> to vector<1x16xf32>
      tpu.vector_store %arg9[%swap3A_733, %swap3A_734], %swap3A_737 {strides = array<i32>} : memref<16x256xf32, #tpu.memory_space<vmem>>, vector<1x16xf32>,
      %mul3A_738 = arith.constant 5.000000e-02 : f32
      %mul3A_739 = vector.broadcast %mul3A_738 : f32 to vector<16xf32>
      %mul3A_740 = arith.mulf %parallel_loop3A_614#4, %mul3A_739 : vector<16xf32>
      %max3A_741 = arith.constant 0.000000e+00 : f32
      %max3A_742 = vector.broadcast %max3A_741 : f32 to vector<16xf32>
      %max3A_743 = arith.maximumf %mul3A_740, %max3A_742 : vector<16xf32>
      %swap3A_744 = arith.index_cast %rem3A_616 : i32 to index
      %swap3A_745 = arith.constant 176 : index
      %swap3A_746 = tpu.vector_load %arg9[%swap3A_744, %swap3A_745] {strides = array<i32>} : memref<16x256xf32, #tpu.memory_space<vmem>>, vector<1x16xf32>,
      %swap3A_747 = vector.shape_cast %swap3A_746 : vector<1x16xf32> to vector<16xf32>
      %swap3A_748 = vector.shape_cast %max3A_743 : vector<16xf32> to vector<1x16xf32>
      tpu.vector_store %arg9[%swap3A_744, %swap3A_745], %swap3A_748 {strides = array<i32>} : memref<16x256xf32, #tpu.memory_space<vmem>>, vector<1x16xf32>,
      %mul3A_749 = arith.constant 5.000000e-02 : f32
      %mul3A_750 = vector.broadcast %mul3A_749 : f32 to vector<16xf32>
      %mul3A_751 = arith.mulf %parallel_loop3A_614#5, %mul3A_750 : vector<16xf32>
      %max3A_752 = arith.constant 0.000000e+00 : f32
      %max3A_753 = vector.broadcast %max3A_752 : f32 to vector<16xf32>
      %max3A_754 = arith.maximumf %mul3A_751, %max3A_753 : vector<16xf32>
      %swap3A_755 = arith.index_cast %rem3A_616 : i32 to index
      %swap3A_756 = arith.constant 192 : index
      %swap3A_757 = tpu.vector_load %arg9[%swap3A_755, %swap3A_756] {strides = array<i32>} : memref<16x256xf32, #tpu.memory_space<vmem>>, vector<1x16xf32>,
      %swap3A_758 = vector.shape_cast %swap3A_757 : vector<1x16xf32> to vector<16xf32>
      %swap3A_759 = vector.shape_cast %max3A_754 : vector<16xf32> to vector<1x16xf32>
      tpu.vector_store %arg9[%swap3A_755, %swap3A_756], %swap3A_759 {strides = array<i32>} : memref<16x256xf32, #tpu.memory_space<vmem>>, vector<1x16xf32>,
      %mul3A_760 = arith.constant 5.000000e-02 : f32
      %mul3A_761 = vector.broadcast %mul3A_760 : f32 to vector<16xf32>
      %mul3A_762 = arith.mulf %parallel_loop3A_614#6, %mul3A_761 : vector<16xf32>
      %max3A_763 = arith.constant 0.000000e+00 : f32
      %max3A_764 = vector.broadcast %max3A_763 : f32 to vector<16xf32>
      %max3A_765 = arith.maximumf %mul3A_762, %max3A_764 : vector<16xf32>
      %swap3A_766 = arith.index_cast %rem3A_616 : i32 to index
      %swap3A_767 = arith.constant 208 : index
      %swap3A_768 = tpu.vector_load %arg9[%swap3A_766, %swap3A_767] {strides = array<i32>} : memref<16x256xf32, #tpu.memory_space<vmem>>, vector<1x16xf32>,
      %swap3A_769 = vector.shape_cast %swap3A_768 : vector<1x16xf32> to vector<16xf32>
      %swap3A_770 = vector.shape_cast %max3A_765 : vector<16xf32> to vector<1x16xf32>
      tpu.vector_store %arg9[%swap3A_766, %swap3A_767], %swap3A_770 {strides = array<i32>} : memref<16x256xf32, #tpu.memory_space<vmem>>, vector<1x16xf32>,
      %swap3A_771 = arith.index_cast %rem3A_616 : i32 to index
      %swap3A_772 = arith.constant 224 : index
      %swap3A_773 = tpu.vector_load %arg9[%swap3A_771, %swap3A_772] {strides = array<i32>} : memref<16x256xf32, #tpu.memory_space<vmem>>, vector<1x16xf32>,
      %swap3A_774 = vector.shape_cast %swap3A_773 : vector<1x16xf32> to vector<16xf32>
      %swap3A_775 = vector.shape_cast %broadcast_in_dim3A_5 : vector<16xf32> to vector<1x16xf32>
      tpu.vector_store %arg9[%swap3A_771, %swap3A_772], %swap3A_775 {strides = array<i32>} : memref<16x256xf32, #tpu.memory_space<vmem>>, vector<1x16xf32>,
      %swap3A_776 = arith.index_cast %rem3A_616 : i32 to index
      %swap3A_777 = arith.constant 240 : index
      %swap3A_778 = tpu.vector_load %arg9[%swap3A_776, %swap3A_777] {strides = array<i32>} : memref<16x256xf32, #tpu.memory_space<vmem>>, vector<1x16xf32>,
      %swap3A_779 = vector.shape_cast %swap3A_778 : vector<1x16xf32> to vector<16xf32>
      %swap3A_780 = vector.shape_cast %broadcast_in_dim3A_5 : vector<16xf32> to vector<1x16xf32>
      tpu.vector_store %arg9[%swap3A_776, %swap3A_777], %swap3A_780 {strides = array<i32>} : memref<16x256xf32, #tpu.memory_space<vmem>>, vector<1x16xf32>,
      %eq3A_781 = arith.constant 15 : i32
      %eq3A_782 = arith.cmpi eq, %rem3A_616, %eq3A_781 : i32
      %convert_element_type3A_783 = arith.extui %eq3A_782 : i1 to i32
      %cond3A_784 = arith.constant 0 : i32
      %cond3A_785 = arith.cmpi ne, %convert_element_type3A_783, %cond3A_784 : i32
      scf.if %cond3A_785 {
        %add3A_983 = arith.addi %mul3A_2, %add3A_592 : i32
        %sub3A = arith.constant 15 : i32
        %sub3A_984 = arith.subi %add3A_983, %sub3A : i32
        %multiple_of3A = tpu.assume_multiple %sub3A_984, 16 : i32
        "tpu.region"() ({
          %run_scoped3A = tpu.sem_alloc : memref<!tpu.dma_semaphore, #tpu.memory_space<semaphore_mem>>
          %dma_start3A_985 = arith.constant 0 : i32
          %dma_start3A_986 = tpu.memref_slice %arg4[%multiple_of3A, %dma_start3A_985] : memref<4096x256xf32, #tpu.memory_space<hbm>> -> memref<16x256xf32, #tpu.memory_space<hbm>>
          %dma_start3A_987 = arith.constant 0 : i32
          %dma_start3A_988 = tpu.memref_slice %arg4[%multiple_of3A, %dma_start3A_987] : memref<4096x256xf32, #tpu.memory_space<hbm>> -> memref<16x256xf32, #tpu.memory_space<hbm>>
          tpu.enqueue_dma source(%arg9 : memref<16x256xf32, #tpu.memory_space<vmem>>) target(%dma_start3A_988 : memref<16x256xf32, #tpu.memory_space<hbm>>) target_semaphore(%run_scoped3A : memref<!tpu.dma_semaphore, #tpu.memory_space<semaphore_mem>>)
          %dma_wait3A_989 = arith.constant 0 : i32
          %dma_wait3A_990 = tpu.memref_slice %arg4[%multiple_of3A, %dma_wait3A_989] : memref<4096x256xf32, #tpu.memory_space<hbm>> -> memref<16x256xf32, #tpu.memory_space<hbm>>
          %dma_wait3A_991 = arith.constant 0 : i32
          %dma_wait3A_992 = tpu.memref_slice %arg4[%multiple_of3A, %dma_wait3A_991] : memref<4096x256xf32, #tpu.memory_space<hbm>> -> memref<16x256xf32, #tpu.memory_space<hbm>>
          tpu.wait_dma2 semaphore(%run_scoped3A : memref<!tpu.dma_semaphore, #tpu.memory_space<semaphore_mem>>) src(%arg9 : memref<16x256xf32, #tpu.memory_space<vmem>>) dst(%dma_wait3A_992 : memref<16x256xf32, #tpu.memory_space<hbm>>)
          tpu.yield
        }) : () -> ()
      } else {
      }
      %mul3A_786 = arith.constant 3 : i32
      %mul3A_787 = arith.muli %mul3A_786, %scan3A_391 : i32
      %add3A_788 = arith.constant 2 : i32
      %add3A_789 = arith.addi %mul3A_787, %add3A_788 : i32
      %mul3A_790 = arith.constant 256 : i32
      %mul3A_791 = arith.muli %add3A_789, %mul3A_790 : i32
      %dma_wait3A_792 = tpu.memref_slice %arg5[%mul3A_791] : memref<32768xi32, #tpu.memory_space<vmem>> -> memref<224xi32, #tpu.memory_space<vmem>>
      %dma_wait3A_793 = arith.constant 0 : i32
      %dma_wait3A_794 = arith.constant 0 : i32
      %dma_wait3A_795 = tpu.memref_slice %arg3[%dma_wait3A_793, %dma_wait3A_794] : memref<1000000x128xf32, #tpu.memory_space<hbm>> -> memref<1000000x128xf32, #tpu.memory_space<hbm>>
      tpu.wait_indirect_dma semaphore(%arg12 : memref<!tpu.dma_semaphore, #tpu.memory_space<semaphore_mem>>) src(%dma_wait3A_795 : memref<1000000x128xf32, #tpu.memory_space<hbm>>) dst(%arg8 : memref<224x128xf32, #tpu.memory_space<vmem>>)
      %add3A_796 = arith.constant 2 : i32
      %add3A_797 = arith.addi %add3A_789, %add3A_796 : i32
      %mul3A_798 = arith.constant 256 : i32
      %mul3A_799 = arith.muli %add3A_797, %mul3A_798 : i32
      %dma_start3A_800 = tpu.memref_slice %arg5[%mul3A_799] : memref<32768xi32, #tpu.memory_space<vmem>> -> memref<224xi32, #tpu.memory_space<vmem>>
      %dma_start3A_801 = arith.constant 0 : i32
      %dma_start3A_802 = arith.constant 0 : i32
      %dma_start3A_803 = tpu.memref_slice %arg3[%dma_start3A_801, %dma_start3A_802] : memref<1000000x128xf32, #tpu.memory_space<hbm>> -> memref<1000000x128xf32, #tpu.memory_space<hbm>>
      tpu.enqueue_indirect_dma source(%dma_start3A_803 : memref<1000000x128xf32, #tpu.memory_space<hbm>>) target(%arg7 : memref<224x128xf32, #tpu.memory_space<vmem>>) offsets(%dma_start3A_800 : memref<224xi32, #tpu.memory_space<vmem>>) semaphore(%arg11 : memref<!tpu.dma_semaphore, #tpu.memory_space<semaphore_mem>>)
      %parallel_loop3A_804 = arith.constant 0 : i32
      %parallel_loop3A_805 = arith.constant 200 : i32
      %parallel_loop3A_806 = arith.constant 1 : i32
      %parallel_loop3A_807:7 = scf.for %parallel_loop3A_983 = %parallel_loop3A_804 to %parallel_loop3A_805 step %parallel_loop3A_806 iter_args(%parallel_loop3A_984 = %broadcast_in_dim3A_5, %parallel_loop3A_985 = %broadcast_in_dim3A_5, %parallel_loop3A_986 = %broadcast_in_dim3A_5, %parallel_loop3A_987 = %broadcast_in_dim3A_5, %parallel_loop3A_988 = %broadcast_in_dim3A_5, %parallel_loop3A_989 = %broadcast_in_dim3A_5, %parallel_loop3A_990 = %broadcast_in_dim3A_5) -> (vector<16xf32>, vector<16xf32>, vector<16xf32>, vector<16xf32>, vector<16xf32>, vector<16xf32>, vector<16xf32>)  : i32 {
        %parallel_loop3A_991 = arith.index_cast %parallel_loop3A_983 : i32 to index
        %parallel_loop3A_992 = arith.constant 0 : index
        %parallel_loop3A_993 = tpu.vector_load %arg8[%parallel_loop3A_991, %parallel_loop3A_992] {strides = array<i32>} : memref<224x128xf32, #tpu.memory_space<vmem>>, vector<1x16xf32>,
        %parallel_loop3A_994 = vector.shape_cast %parallel_loop3A_993 : vector<1x16xf32> to vector<16xf32>
        %parallel_loop3A_995 = arith.addf %parallel_loop3A_984, %parallel_loop3A_994 : vector<16xf32>
        %parallel_loop3A_996 = arith.index_cast %parallel_loop3A_983 : i32 to index
        %parallel_loop3A_997 = arith.constant 16 : index
        %parallel_loop3A_998 = tpu.vector_load %arg8[%parallel_loop3A_996, %parallel_loop3A_997] {strides = array<i32>} : memref<224x128xf32, #tpu.memory_space<vmem>>, vector<1x16xf32>,
        %parallel_loop3A_999 = vector.shape_cast %parallel_loop3A_998 : vector<1x16xf32> to vector<16xf32>
        %parallel_loop3A_1000 = arith.addf %parallel_loop3A_985, %parallel_loop3A_999 : vector<16xf32>
        %parallel_loop3A_1001 = arith.index_cast %parallel_loop3A_983 : i32 to index
        %parallel_loop3A_1002 = arith.constant 32 : index
        %parallel_loop3A_1003 = tpu.vector_load %arg8[%parallel_loop3A_1001, %parallel_loop3A_1002] {strides = array<i32>} : memref<224x128xf32, #tpu.memory_space<vmem>>, vector<1x16xf32>,
        %parallel_loop3A_1004 = vector.shape_cast %parallel_loop3A_1003 : vector<1x16xf32> to vector<16xf32>
        %parallel_loop3A_1005 = arith.addf %parallel_loop3A_986, %parallel_loop3A_1004 : vector<16xf32>
        %parallel_loop3A_1006 = arith.index_cast %parallel_loop3A_983 : i32 to index
        %parallel_loop3A_1007 = arith.constant 48 : index
        %parallel_loop3A_1008 = tpu.vector_load %arg8[%parallel_loop3A_1006, %parallel_loop3A_1007] {strides = array<i32>} : memref<224x128xf32, #tpu.memory_space<vmem>>, vector<1x16xf32>,
        %parallel_loop3A_1009 = vector.shape_cast %parallel_loop3A_1008 : vector<1x16xf32> to vector<16xf32>
        %parallel_loop3A_1010 = arith.addf %parallel_loop3A_987, %parallel_loop3A_1009 : vector<16xf32>
        %parallel_loop3A_1011 = arith.index_cast %parallel_loop3A_983 : i32 to index
        %parallel_loop3A_1012 = arith.constant 64 : index
        %parallel_loop3A_1013 = tpu.vector_load %arg8[%parallel_loop3A_1011, %parallel_loop3A_1012] {strides = array<i32>} : memref<224x128xf32, #tpu.memory_space<vmem>>, vector<1x16xf32>,
        %parallel_loop3A_1014 = vector.shape_cast %parallel_loop3A_1013 : vector<1x16xf32> to vector<16xf32>
        %parallel_loop3A_1015 = arith.addf %parallel_loop3A_988, %parallel_loop3A_1014 : vector<16xf32>
        %parallel_loop3A_1016 = arith.index_cast %parallel_loop3A_983 : i32 to index
        %parallel_loop3A_1017 = arith.constant 80 : index
        %parallel_loop3A_1018 = tpu.vector_load %arg8[%parallel_loop3A_1016, %parallel_loop3A_1017] {strides = array<i32>} : memref<224x128xf32, #tpu.memory_space<vmem>>, vector<1x16xf32>,
        %parallel_loop3A_1019 = vector.shape_cast %parallel_loop3A_1018 : vector<1x16xf32> to vector<16xf32>
        %parallel_loop3A_1020 = arith.addf %parallel_loop3A_989, %parallel_loop3A_1019 : vector<16xf32>
        %parallel_loop3A_1021 = arith.index_cast %parallel_loop3A_983 : i32 to index
        %parallel_loop3A_1022 = arith.constant 96 : index
        %parallel_loop3A_1023 = tpu.vector_load %arg8[%parallel_loop3A_1021, %parallel_loop3A_1022] {strides = array<i32>} : memref<224x128xf32, #tpu.memory_space<vmem>>, vector<1x16xf32>,
        %parallel_loop3A_1024 = vector.shape_cast %parallel_loop3A_1023 : vector<1x16xf32> to vector<16xf32>
        %parallel_loop3A_1025 = arith.addf %parallel_loop3A_990, %parallel_loop3A_1024 : vector<16xf32>
        scf.yield %parallel_loop3A_995, %parallel_loop3A_1000, %parallel_loop3A_1005, %parallel_loop3A_1010, %parallel_loop3A_1015, %parallel_loop3A_1020, %parallel_loop3A_1025 : vector<16xf32>, vector<16xf32>, vector<16xf32>, vector<16xf32>, vector<16xf32>, vector<16xf32>, vector<16xf32>
      } {sc.loop_unroll_factor = 4 : i64, sc.parallel_access}
      %parallel_loop3A_808 = arith.constant 200 : i32
      %parallel_loop3A_809 = arith.constant 220 : i32
      %parallel_loop3A_810 = arith.constant 1 : i32
      %parallel_loop3A_811:7 = scf.for %parallel_loop3A_983 = %parallel_loop3A_808 to %parallel_loop3A_809 step %parallel_loop3A_810 iter_args(%parallel_loop3A_984 = %broadcast_in_dim3A_5, %parallel_loop3A_985 = %broadcast_in_dim3A_5, %parallel_loop3A_986 = %broadcast_in_dim3A_5, %parallel_loop3A_987 = %broadcast_in_dim3A_5, %parallel_loop3A_988 = %broadcast_in_dim3A_5, %parallel_loop3A_989 = %broadcast_in_dim3A_5, %parallel_loop3A_990 = %broadcast_in_dim3A_5) -> (vector<16xf32>, vector<16xf32>, vector<16xf32>, vector<16xf32>, vector<16xf32>, vector<16xf32>, vector<16xf32>)  : i32 {
        %parallel_loop3A_991 = arith.index_cast %parallel_loop3A_983 : i32 to index
        %parallel_loop3A_992 = arith.constant 0 : index
        %parallel_loop3A_993 = tpu.vector_load %arg8[%parallel_loop3A_991, %parallel_loop3A_992] {strides = array<i32>} : memref<224x128xf32, #tpu.memory_space<vmem>>, vector<1x16xf32>,
        %parallel_loop3A_994 = vector.shape_cast %parallel_loop3A_993 : vector<1x16xf32> to vector<16xf32>
        %parallel_loop3A_995 = arith.addf %parallel_loop3A_984, %parallel_loop3A_994 : vector<16xf32>
        %parallel_loop3A_996 = arith.index_cast %parallel_loop3A_983 : i32 to index
        %parallel_loop3A_997 = arith.constant 16 : index
        %parallel_loop3A_998 = tpu.vector_load %arg8[%parallel_loop3A_996, %parallel_loop3A_997] {strides = array<i32>} : memref<224x128xf32, #tpu.memory_space<vmem>>, vector<1x16xf32>,
        %parallel_loop3A_999 = vector.shape_cast %parallel_loop3A_998 : vector<1x16xf32> to vector<16xf32>
        %parallel_loop3A_1000 = arith.addf %parallel_loop3A_985, %parallel_loop3A_999 : vector<16xf32>
        %parallel_loop3A_1001 = arith.index_cast %parallel_loop3A_983 : i32 to index
        %parallel_loop3A_1002 = arith.constant 32 : index
        %parallel_loop3A_1003 = tpu.vector_load %arg8[%parallel_loop3A_1001, %parallel_loop3A_1002] {strides = array<i32>} : memref<224x128xf32, #tpu.memory_space<vmem>>, vector<1x16xf32>,
        %parallel_loop3A_1004 = vector.shape_cast %parallel_loop3A_1003 : vector<1x16xf32> to vector<16xf32>
        %parallel_loop3A_1005 = arith.addf %parallel_loop3A_986, %parallel_loop3A_1004 : vector<16xf32>
        %parallel_loop3A_1006 = arith.index_cast %parallel_loop3A_983 : i32 to index
        %parallel_loop3A_1007 = arith.constant 48 : index
        %parallel_loop3A_1008 = tpu.vector_load %arg8[%parallel_loop3A_1006, %parallel_loop3A_1007] {strides = array<i32>} : memref<224x128xf32, #tpu.memory_space<vmem>>, vector<1x16xf32>,
        %parallel_loop3A_1009 = vector.shape_cast %parallel_loop3A_1008 : vector<1x16xf32> to vector<16xf32>
        %parallel_loop3A_1010 = arith.addf %parallel_loop3A_987, %parallel_loop3A_1009 : vector<16xf32>
        %parallel_loop3A_1011 = arith.index_cast %parallel_loop3A_983 : i32 to index
        %parallel_loop3A_1012 = arith.constant 64 : index
        %parallel_loop3A_1013 = tpu.vector_load %arg8[%parallel_loop3A_1011, %parallel_loop3A_1012] {strides = array<i32>} : memref<224x128xf32, #tpu.memory_space<vmem>>, vector<1x16xf32>,
        %parallel_loop3A_1014 = vector.shape_cast %parallel_loop3A_1013 : vector<1x16xf32> to vector<16xf32>
        %parallel_loop3A_1015 = arith.addf %parallel_loop3A_988, %parallel_loop3A_1014 : vector<16xf32>
        %parallel_loop3A_1016 = arith.index_cast %parallel_loop3A_983 : i32 to index
        %parallel_loop3A_1017 = arith.constant 80 : index
        %parallel_loop3A_1018 = tpu.vector_load %arg8[%parallel_loop3A_1016, %parallel_loop3A_1017] {strides = array<i32>} : memref<224x128xf32, #tpu.memory_space<vmem>>, vector<1x16xf32>,
        %parallel_loop3A_1019 = vector.shape_cast %parallel_loop3A_1018 : vector<1x16xf32> to vector<16xf32>
        %parallel_loop3A_1020 = arith.addf %parallel_loop3A_989, %parallel_loop3A_1019 : vector<16xf32>
        %parallel_loop3A_1021 = arith.index_cast %parallel_loop3A_983 : i32 to index
        %parallel_loop3A_1022 = arith.constant 96 : index
        %parallel_loop3A_1023 = tpu.vector_load %arg8[%parallel_loop3A_1021, %parallel_loop3A_1022] {strides = array<i32>} : memref<224x128xf32, #tpu.memory_space<vmem>>, vector<1x16xf32>,
        %parallel_loop3A_1024 = vector.shape_cast %parallel_loop3A_1023 : vector<1x16xf32> to vector<16xf32>
        %parallel_loop3A_1025 = arith.addf %parallel_loop3A_990, %parallel_loop3A_1024 : vector<16xf32>
        scf.yield %parallel_loop3A_995, %parallel_loop3A_1000, %parallel_loop3A_1005, %parallel_loop3A_1010, %parallel_loop3A_1015, %parallel_loop3A_1020, %parallel_loop3A_1025 : vector<16xf32>, vector<16xf32>, vector<16xf32>, vector<16xf32>, vector<16xf32>, vector<16xf32>, vector<16xf32>
      } {sc.loop_unroll_factor = 4 : i64, sc.parallel_access}
      %rem3A_812 = arith.constant 16 : i32
      %rem3A_813 = arith.remsi %add3A_789, %rem3A_812 : i32
      %mul3A_814 = arith.constant 5.000000e-03 : f32
      %mul3A_815 = vector.broadcast %mul3A_814 : f32 to vector<16xf32>
      %mul3A_816 = arith.mulf %parallel_loop3A_807#0, %mul3A_815 : vector<16xf32>
      %max3A_817 = arith.constant 0.000000e+00 : f32
      %max3A_818 = vector.broadcast %max3A_817 : f32 to vector<16xf32>
      %max3A_819 = arith.maximumf %mul3A_816, %max3A_818 : vector<16xf32>
      %swap3A_820 = arith.index_cast %rem3A_813 : i32 to index
      %swap3A_821 = arith.constant 0 : index
      %swap3A_822 = tpu.vector_load %arg9[%swap3A_820, %swap3A_821] {strides = array<i32>} : memref<16x256xf32, #tpu.memory_space<vmem>>, vector<1x16xf32>,
      %swap3A_823 = vector.shape_cast %swap3A_822 : vector<1x16xf32> to vector<16xf32>
      %swap3A_824 = vector.shape_cast %max3A_819 : vector<16xf32> to vector<1x16xf32>
      tpu.vector_store %arg9[%swap3A_820, %swap3A_821], %swap3A_824 {strides = array<i32>} : memref<16x256xf32, #tpu.memory_space<vmem>>, vector<1x16xf32>,
      %mul3A_825 = arith.constant 5.000000e-03 : f32
      %mul3A_826 = vector.broadcast %mul3A_825 : f32 to vector<16xf32>
      %mul3A_827 = arith.mulf %parallel_loop3A_807#1, %mul3A_826 : vector<16xf32>
      %max3A_828 = arith.constant 0.000000e+00 : f32
      %max3A_829 = vector.broadcast %max3A_828 : f32 to vector<16xf32>
      %max3A_830 = arith.maximumf %mul3A_827, %max3A_829 : vector<16xf32>
      %swap3A_831 = arith.index_cast %rem3A_813 : i32 to index
      %swap3A_832 = arith.constant 16 : index
      %swap3A_833 = tpu.vector_load %arg9[%swap3A_831, %swap3A_832] {strides = array<i32>} : memref<16x256xf32, #tpu.memory_space<vmem>>, vector<1x16xf32>,
      %swap3A_834 = vector.shape_cast %swap3A_833 : vector<1x16xf32> to vector<16xf32>
      %swap3A_835 = vector.shape_cast %max3A_830 : vector<16xf32> to vector<1x16xf32>
      tpu.vector_store %arg9[%swap3A_831, %swap3A_832], %swap3A_835 {strides = array<i32>} : memref<16x256xf32, #tpu.memory_space<vmem>>, vector<1x16xf32>,
      %mul3A_836 = arith.constant 5.000000e-03 : f32
      %mul3A_837 = vector.broadcast %mul3A_836 : f32 to vector<16xf32>
      %mul3A_838 = arith.mulf %parallel_loop3A_807#2, %mul3A_837 : vector<16xf32>
      %max3A_839 = arith.constant 0.000000e+00 : f32
      %max3A_840 = vector.broadcast %max3A_839 : f32 to vector<16xf32>
      %max3A_841 = arith.maximumf %mul3A_838, %max3A_840 : vector<16xf32>
      %swap3A_842 = arith.index_cast %rem3A_813 : i32 to index
      %swap3A_843 = arith.constant 32 : index
      %swap3A_844 = tpu.vector_load %arg9[%swap3A_842, %swap3A_843] {strides = array<i32>} : memref<16x256xf32, #tpu.memory_space<vmem>>, vector<1x16xf32>,
      %swap3A_845 = vector.shape_cast %swap3A_844 : vector<1x16xf32> to vector<16xf32>
      %swap3A_846 = vector.shape_cast %max3A_841 : vector<16xf32> to vector<1x16xf32>
      tpu.vector_store %arg9[%swap3A_842, %swap3A_843], %swap3A_846 {strides = array<i32>} : memref<16x256xf32, #tpu.memory_space<vmem>>, vector<1x16xf32>,
      %mul3A_847 = arith.constant 5.000000e-03 : f32
      %mul3A_848 = vector.broadcast %mul3A_847 : f32 to vector<16xf32>
      %mul3A_849 = arith.mulf %parallel_loop3A_807#3, %mul3A_848 : vector<16xf32>
      %max3A_850 = arith.constant 0.000000e+00 : f32
      %max3A_851 = vector.broadcast %max3A_850 : f32 to vector<16xf32>
      %max3A_852 = arith.maximumf %mul3A_849, %max3A_851 : vector<16xf32>
      %swap3A_853 = arith.index_cast %rem3A_813 : i32 to index
      %swap3A_854 = arith.constant 48 : index
      %swap3A_855 = tpu.vector_load %arg9[%swap3A_853, %swap3A_854] {strides = array<i32>} : memref<16x256xf32, #tpu.memory_space<vmem>>, vector<1x16xf32>,
      %swap3A_856 = vector.shape_cast %swap3A_855 : vector<1x16xf32> to vector<16xf32>
      %swap3A_857 = vector.shape_cast %max3A_852 : vector<16xf32> to vector<1x16xf32>
      tpu.vector_store %arg9[%swap3A_853, %swap3A_854], %swap3A_857 {strides = array<i32>} : memref<16x256xf32, #tpu.memory_space<vmem>>, vector<1x16xf32>,
      %mul3A_858 = arith.constant 5.000000e-03 : f32
      %mul3A_859 = vector.broadcast %mul3A_858 : f32 to vector<16xf32>
      %mul3A_860 = arith.mulf %parallel_loop3A_807#4, %mul3A_859 : vector<16xf32>
      %max3A_861 = arith.constant 0.000000e+00 : f32
      %max3A_862 = vector.broadcast %max3A_861 : f32 to vector<16xf32>
      %max3A_863 = arith.maximumf %mul3A_860, %max3A_862 : vector<16xf32>
      %swap3A_864 = arith.index_cast %rem3A_813 : i32 to index
      %swap3A_865 = arith.constant 64 : index
      %swap3A_866 = tpu.vector_load %arg9[%swap3A_864, %swap3A_865] {strides = array<i32>} : memref<16x256xf32, #tpu.memory_space<vmem>>, vector<1x16xf32>,
      %swap3A_867 = vector.shape_cast %swap3A_866 : vector<1x16xf32> to vector<16xf32>
      %swap3A_868 = vector.shape_cast %max3A_863 : vector<16xf32> to vector<1x16xf32>
      tpu.vector_store %arg9[%swap3A_864, %swap3A_865], %swap3A_868 {strides = array<i32>} : memref<16x256xf32, #tpu.memory_space<vmem>>, vector<1x16xf32>,
      %mul3A_869 = arith.constant 5.000000e-03 : f32
      %mul3A_870 = vector.broadcast %mul3A_869 : f32 to vector<16xf32>
      %mul3A_871 = arith.mulf %parallel_loop3A_807#5, %mul3A_870 : vector<16xf32>
      %max3A_872 = arith.constant 0.000000e+00 : f32
      %max3A_873 = vector.broadcast %max3A_872 : f32 to vector<16xf32>
      %max3A_874 = arith.maximumf %mul3A_871, %max3A_873 : vector<16xf32>
      %swap3A_875 = arith.index_cast %rem3A_813 : i32 to index
      %swap3A_876 = arith.constant 80 : index
      %swap3A_877 = tpu.vector_load %arg9[%swap3A_875, %swap3A_876] {strides = array<i32>} : memref<16x256xf32, #tpu.memory_space<vmem>>, vector<1x16xf32>,
      %swap3A_878 = vector.shape_cast %swap3A_877 : vector<1x16xf32> to vector<16xf32>
      %swap3A_879 = vector.shape_cast %max3A_874 : vector<16xf32> to vector<1x16xf32>
      tpu.vector_store %arg9[%swap3A_875, %swap3A_876], %swap3A_879 {strides = array<i32>} : memref<16x256xf32, #tpu.memory_space<vmem>>, vector<1x16xf32>,
      %mul3A_880 = arith.constant 5.000000e-03 : f32
      %mul3A_881 = vector.broadcast %mul3A_880 : f32 to vector<16xf32>
      %mul3A_882 = arith.mulf %parallel_loop3A_807#6, %mul3A_881 : vector<16xf32>
      %max3A_883 = arith.constant 0.000000e+00 : f32
      %max3A_884 = vector.broadcast %max3A_883 : f32 to vector<16xf32>
      %max3A_885 = arith.maximumf %mul3A_882, %max3A_884 : vector<16xf32>
      %swap3A_886 = arith.index_cast %rem3A_813 : i32 to index
      %swap3A_887 = arith.constant 96 : index
      %swap3A_888 = tpu.vector_load %arg9[%swap3A_886, %swap3A_887] {strides = array<i32>} : memref<16x256xf32, #tpu.memory_space<vmem>>, vector<1x16xf32>,
      %swap3A_889 = vector.shape_cast %swap3A_888 : vector<1x16xf32> to vector<16xf32>
      %swap3A_890 = vector.shape_cast %max3A_885 : vector<16xf32> to vector<1x16xf32>
      tpu.vector_store %arg9[%swap3A_886, %swap3A_887], %swap3A_890 {strides = array<i32>} : memref<16x256xf32, #tpu.memory_space<vmem>>, vector<1x16xf32>,
      %mul3A_891 = arith.constant 5.000000e-02 : f32
      %mul3A_892 = vector.broadcast %mul3A_891 : f32 to vector<16xf32>
      %mul3A_893 = arith.mulf %parallel_loop3A_811#0, %mul3A_892 : vector<16xf32>
      %max3A_894 = arith.constant 0.000000e+00 : f32
      %max3A_895 = vector.broadcast %max3A_894 : f32 to vector<16xf32>
      %max3A_896 = arith.maximumf %mul3A_893, %max3A_895 : vector<16xf32>
      %swap3A_897 = arith.index_cast %rem3A_813 : i32 to index
      %swap3A_898 = arith.constant 112 : index
      %swap3A_899 = tpu.vector_load %arg9[%swap3A_897, %swap3A_898] {strides = array<i32>} : memref<16x256xf32, #tpu.memory_space<vmem>>, vector<1x16xf32>,
      %swap3A_900 = vector.shape_cast %swap3A_899 : vector<1x16xf32> to vector<16xf32>
      %swap3A_901 = vector.shape_cast %max3A_896 : vector<16xf32> to vector<1x16xf32>
      tpu.vector_store %arg9[%swap3A_897, %swap3A_898], %swap3A_901 {strides = array<i32>} : memref<16x256xf32, #tpu.memory_space<vmem>>, vector<1x16xf32>,
      %mul3A_902 = arith.constant 5.000000e-02 : f32
      %mul3A_903 = vector.broadcast %mul3A_902 : f32 to vector<16xf32>
      %mul3A_904 = arith.mulf %parallel_loop3A_811#1, %mul3A_903 : vector<16xf32>
      %max3A_905 = arith.constant 0.000000e+00 : f32
      %max3A_906 = vector.broadcast %max3A_905 : f32 to vector<16xf32>
      %max3A_907 = arith.maximumf %mul3A_904, %max3A_906 : vector<16xf32>
      %swap3A_908 = arith.index_cast %rem3A_813 : i32 to index
      %swap3A_909 = arith.constant 128 : index
      %swap3A_910 = tpu.vector_load %arg9[%swap3A_908, %swap3A_909] {strides = array<i32>} : memref<16x256xf32, #tpu.memory_space<vmem>>, vector<1x16xf32>,
      %swap3A_911 = vector.shape_cast %swap3A_910 : vector<1x16xf32> to vector<16xf32>
      %swap3A_912 = vector.shape_cast %max3A_907 : vector<16xf32> to vector<1x16xf32>
      tpu.vector_store %arg9[%swap3A_908, %swap3A_909], %swap3A_912 {strides = array<i32>} : memref<16x256xf32, #tpu.memory_space<vmem>>, vector<1x16xf32>,
      %mul3A_913 = arith.constant 5.000000e-02 : f32
      %mul3A_914 = vector.broadcast %mul3A_913 : f32 to vector<16xf32>
      %mul3A_915 = arith.mulf %parallel_loop3A_811#2, %mul3A_914 : vector<16xf32>
      %max3A_916 = arith.constant 0.000000e+00 : f32
      %max3A_917 = vector.broadcast %max3A_916 : f32 to vector<16xf32>
      %max3A_918 = arith.maximumf %mul3A_915, %max3A_917 : vector<16xf32>
      %swap3A_919 = arith.index_cast %rem3A_813 : i32 to index
      %swap3A_920 = arith.constant 144 : index
      %swap3A_921 = tpu.vector_load %arg9[%swap3A_919, %swap3A_920] {strides = array<i32>} : memref<16x256xf32, #tpu.memory_space<vmem>>, vector<1x16xf32>,
      %swap3A_922 = vector.shape_cast %swap3A_921 : vector<1x16xf32> to vector<16xf32>
      %swap3A_923 = vector.shape_cast %max3A_918 : vector<16xf32> to vector<1x16xf32>
      tpu.vector_store %arg9[%swap3A_919, %swap3A_920], %swap3A_923 {strides = array<i32>} : memref<16x256xf32, #tpu.memory_space<vmem>>, vector<1x16xf32>,
      %mul3A_924 = arith.constant 5.000000e-02 : f32
      %mul3A_925 = vector.broadcast %mul3A_924 : f32 to vector<16xf32>
      %mul3A_926 = arith.mulf %parallel_loop3A_811#3, %mul3A_925 : vector<16xf32>
      %max3A_927 = arith.constant 0.000000e+00 : f32
      %max3A_928 = vector.broadcast %max3A_927 : f32 to vector<16xf32>
      %max3A_929 = arith.maximumf %mul3A_926, %max3A_928 : vector<16xf32>
      %swap3A_930 = arith.index_cast %rem3A_813 : i32 to index
      %swap3A_931 = arith.constant 160 : index
      %swap3A_932 = tpu.vector_load %arg9[%swap3A_930, %swap3A_931] {strides = array<i32>} : memref<16x256xf32, #tpu.memory_space<vmem>>, vector<1x16xf32>,
      %swap3A_933 = vector.shape_cast %swap3A_932 : vector<1x16xf32> to vector<16xf32>
      %swap3A_934 = vector.shape_cast %max3A_929 : vector<16xf32> to vector<1x16xf32>
      tpu.vector_store %arg9[%swap3A_930, %swap3A_931], %swap3A_934 {strides = array<i32>} : memref<16x256xf32, #tpu.memory_space<vmem>>, vector<1x16xf32>,
      %mul3A_935 = arith.constant 5.000000e-02 : f32
      %mul3A_936 = vector.broadcast %mul3A_935 : f32 to vector<16xf32>
      %mul3A_937 = arith.mulf %parallel_loop3A_811#4, %mul3A_936 : vector<16xf32>
      %max3A_938 = arith.constant 0.000000e+00 : f32
      %max3A_939 = vector.broadcast %max3A_938 : f32 to vector<16xf32>
      %max3A_940 = arith.maximumf %mul3A_937, %max3A_939 : vector<16xf32>
      %swap3A_941 = arith.index_cast %rem3A_813 : i32 to index
      %swap3A_942 = arith.constant 176 : index
      %swap3A_943 = tpu.vector_load %arg9[%swap3A_941, %swap3A_942] {strides = array<i32>} : memref<16x256xf32, #tpu.memory_space<vmem>>, vector<1x16xf32>,
      %swap3A_944 = vector.shape_cast %swap3A_943 : vector<1x16xf32> to vector<16xf32>
      %swap3A_945 = vector.shape_cast %max3A_940 : vector<16xf32> to vector<1x16xf32>
      tpu.vector_store %arg9[%swap3A_941, %swap3A_942], %swap3A_945 {strides = array<i32>} : memref<16x256xf32, #tpu.memory_space<vmem>>, vector<1x16xf32>,
      %mul3A_946 = arith.constant 5.000000e-02 : f32
      %mul3A_947 = vector.broadcast %mul3A_946 : f32 to vector<16xf32>
      %mul3A_948 = arith.mulf %parallel_loop3A_811#5, %mul3A_947 : vector<16xf32>
      %max3A_949 = arith.constant 0.000000e+00 : f32
      %max3A_950 = vector.broadcast %max3A_949 : f32 to vector<16xf32>
      %max3A_951 = arith.maximumf %mul3A_948, %max3A_950 : vector<16xf32>
      %swap3A_952 = arith.index_cast %rem3A_813 : i32 to index
      %swap3A_953 = arith.constant 192 : index
      %swap3A_954 = tpu.vector_load %arg9[%swap3A_952, %swap3A_953] {strides = array<i32>} : memref<16x256xf32, #tpu.memory_space<vmem>>, vector<1x16xf32>,
      %swap3A_955 = vector.shape_cast %swap3A_954 : vector<1x16xf32> to vector<16xf32>
      %swap3A_956 = vector.shape_cast %max3A_951 : vector<16xf32> to vector<1x16xf32>
      tpu.vector_store %arg9[%swap3A_952, %swap3A_953], %swap3A_956 {strides = array<i32>} : memref<16x256xf32, #tpu.memory_space<vmem>>, vector<1x16xf32>,
      %mul3A_957 = arith.constant 5.000000e-02 : f32
      %mul3A_958 = vector.broadcast %mul3A_957 : f32 to vector<16xf32>
      %mul3A_959 = arith.mulf %parallel_loop3A_811#6, %mul3A_958 : vector<16xf32>
      %max3A_960 = arith.constant 0.000000e+00 : f32
      %max3A_961 = vector.broadcast %max3A_960 : f32 to vector<16xf32>
      %max3A_962 = arith.maximumf %mul3A_959, %max3A_961 : vector<16xf32>
      %swap3A_963 = arith.index_cast %rem3A_813 : i32 to index
      %swap3A_964 = arith.constant 208 : index
      %swap3A_965 = tpu.vector_load %arg9[%swap3A_963, %swap3A_964] {strides = array<i32>} : memref<16x256xf32, #tpu.memory_space<vmem>>, vector<1x16xf32>,
      %swap3A_966 = vector.shape_cast %swap3A_965 : vector<1x16xf32> to vector<16xf32>
      %swap3A_967 = vector.shape_cast %max3A_962 : vector<16xf32> to vector<1x16xf32>
      tpu.vector_store %arg9[%swap3A_963, %swap3A_964], %swap3A_967 {strides = array<i32>} : memref<16x256xf32, #tpu.memory_space<vmem>>, vector<1x16xf32>,
      %swap3A_968 = arith.index_cast %rem3A_813 : i32 to index
      %swap3A_969 = arith.constant 224 : index
      %swap3A_970 = tpu.vector_load %arg9[%swap3A_968, %swap3A_969] {strides = array<i32>} : memref<16x256xf32, #tpu.memory_space<vmem>>, vector<1x16xf32>,
      %swap3A_971 = vector.shape_cast %swap3A_970 : vector<1x16xf32> to vector<16xf32>
      %swap3A_972 = vector.shape_cast %broadcast_in_dim3A_5 : vector<16xf32> to vector<1x16xf32>
      tpu.vector_store %arg9[%swap3A_968, %swap3A_969], %swap3A_972 {strides = array<i32>} : memref<16x256xf32, #tpu.memory_space<vmem>>, vector<1x16xf32>,
      %swap3A_973 = arith.index_cast %rem3A_813 : i32 to index
      %swap3A_974 = arith.constant 240 : index
      %swap3A_975 = tpu.vector_load %arg9[%swap3A_973, %swap3A_974] {strides = array<i32>} : memref<16x256xf32, #tpu.memory_space<vmem>>, vector<1x16xf32>,
      %swap3A_976 = vector.shape_cast %swap3A_975 : vector<1x16xf32> to vector<16xf32>
      %swap3A_977 = vector.shape_cast %broadcast_in_dim3A_5 : vector<16xf32> to vector<1x16xf32>
      tpu.vector_store %arg9[%swap3A_973, %swap3A_974], %swap3A_977 {strides = array<i32>} : memref<16x256xf32, #tpu.memory_space<vmem>>, vector<1x16xf32>,
      %eq3A_978 = arith.constant 15 : i32
      %eq3A_979 = arith.cmpi eq, %rem3A_813, %eq3A_978 : i32
      %convert_element_type3A_980 = arith.extui %eq3A_979 : i1 to i32
      %cond3A_981 = arith.constant 0 : i32
      %cond3A_982 = arith.cmpi ne, %convert_element_type3A_980, %cond3A_981 : i32
      scf.if %cond3A_982 {
        %add3A_983 = arith.addi %mul3A_2, %add3A_789 : i32
        %sub3A = arith.constant 15 : i32
        %sub3A_984 = arith.subi %add3A_983, %sub3A : i32
        %multiple_of3A = tpu.assume_multiple %sub3A_984, 16 : i32
        "tpu.region"() ({
          %run_scoped3A = tpu.sem_alloc : memref<!tpu.dma_semaphore, #tpu.memory_space<semaphore_mem>>
          %dma_start3A_985 = arith.constant 0 : i32
          %dma_start3A_986 = tpu.memref_slice %arg4[%multiple_of3A, %dma_start3A_985] : memref<4096x256xf32, #tpu.memory_space<hbm>> -> memref<16x256xf32, #tpu.memory_space<hbm>>
          %dma_start3A_987 = arith.constant 0 : i32
          %dma_start3A_988 = tpu.memref_slice %arg4[%multiple_of3A, %dma_start3A_987] : memref<4096x256xf32, #tpu.memory_space<hbm>> -> memref<16x256xf32, #tpu.memory_space<hbm>>
          tpu.enqueue_dma source(%arg9 : memref<16x256xf32, #tpu.memory_space<vmem>>) target(%dma_start3A_988 : memref<16x256xf32, #tpu.memory_space<hbm>>) target_semaphore(%run_scoped3A : memref<!tpu.dma_semaphore, #tpu.memory_space<semaphore_mem>>)
          %dma_wait3A_989 = arith.constant 0 : i32
          %dma_wait3A_990 = tpu.memref_slice %arg4[%multiple_of3A, %dma_wait3A_989] : memref<4096x256xf32, #tpu.memory_space<hbm>> -> memref<16x256xf32, #tpu.memory_space<hbm>>
          %dma_wait3A_991 = arith.constant 0 : i32
          %dma_wait3A_992 = tpu.memref_slice %arg4[%multiple_of3A, %dma_wait3A_991] : memref<4096x256xf32, #tpu.memory_space<hbm>> -> memref<16x256xf32, #tpu.memory_space<hbm>>
          tpu.wait_dma2 semaphore(%run_scoped3A : memref<!tpu.dma_semaphore, #tpu.memory_space<semaphore_mem>>) src(%arg9 : memref<16x256xf32, #tpu.memory_space<vmem>>) dst(%dma_wait3A_992 : memref<16x256xf32, #tpu.memory_space<hbm>>)
          tpu.yield
        }) : () -> ()
      } else {
      }
    }
    %scan3A_22 = arith.constant 42 : i32
    %mul3A_23 = arith.constant 126 : i32
    %mul3A_24 = arith.constant 256 : i32
    %mul3A_25 = arith.muli %mul3A_23, %mul3A_24 : i32
    %dma_wait3A = tpu.memref_slice %arg5[%mul3A_25] : memref<32768xi32, #tpu.memory_space<vmem>> -> memref<224xi32, #tpu.memory_space<vmem>>
    %dma_wait3A_26 = arith.constant 0 : i32
    %dma_wait3A_27 = arith.constant 0 : i32
    %dma_wait3A_28 = tpu.memref_slice %arg3[%dma_wait3A_26, %dma_wait3A_27] : memref<1000000x128xf32, #tpu.memory_space<hbm>> -> memref<1000000x128xf32, #tpu.memory_space<hbm>>
    tpu.wait_indirect_dma semaphore(%arg10 : memref<!tpu.dma_semaphore, #tpu.memory_space<semaphore_mem>>) src(%dma_wait3A_28 : memref<1000000x128xf32, #tpu.memory_space<hbm>>) dst(%arg6 : memref<224x128xf32, #tpu.memory_space<vmem>>)
    %parallel_loop3A = arith.constant 0 : i32
    %parallel_loop3A_29 = arith.constant 200 : i32
    %parallel_loop3A_30 = arith.constant 1 : i32
    %parallel_loop3A_31:7 = scf.for %parallel_loop3A_391 = %parallel_loop3A to %parallel_loop3A_29 step %parallel_loop3A_30 iter_args(%parallel_loop3A_392 = %broadcast_in_dim3A_5, %parallel_loop3A_393 = %broadcast_in_dim3A_5, %parallel_loop3A_394 = %broadcast_in_dim3A_5, %parallel_loop3A_395 = %broadcast_in_dim3A_5, %parallel_loop3A_396 = %broadcast_in_dim3A_5, %parallel_loop3A_397 = %broadcast_in_dim3A_5, %parallel_loop3A_398 = %broadcast_in_dim3A_5) -> (vector<16xf32>, vector<16xf32>, vector<16xf32>, vector<16xf32>, vector<16xf32>, vector<16xf32>, vector<16xf32>)  : i32 {
      %parallel_loop3A_399 = arith.index_cast %parallel_loop3A_391 : i32 to index
      %parallel_loop3A_400 = arith.constant 0 : index
      %parallel_loop3A_401 = tpu.vector_load %arg6[%parallel_loop3A_399, %parallel_loop3A_400] {strides = array<i32>} : memref<224x128xf32, #tpu.memory_space<vmem>>, vector<1x16xf32>,
      %parallel_loop3A_402 = vector.shape_cast %parallel_loop3A_401 : vector<1x16xf32> to vector<16xf32>
      %parallel_loop3A_403 = arith.addf %parallel_loop3A_392, %parallel_loop3A_402 : vector<16xf32>
      %parallel_loop3A_404 = arith.index_cast %parallel_loop3A_391 : i32 to index
      %parallel_loop3A_405 = arith.constant 16 : index
      %parallel_loop3A_406 = tpu.vector_load %arg6[%parallel_loop3A_404, %parallel_loop3A_405] {strides = array<i32>} : memref<224x128xf32, #tpu.memory_space<vmem>>, vector<1x16xf32>,
      %parallel_loop3A_407 = vector.shape_cast %parallel_loop3A_406 : vector<1x16xf32> to vector<16xf32>
      %parallel_loop3A_408 = arith.addf %parallel_loop3A_393, %parallel_loop3A_407 : vector<16xf32>
      %parallel_loop3A_409 = arith.index_cast %parallel_loop3A_391 : i32 to index
      %parallel_loop3A_410 = arith.constant 32 : index
      %parallel_loop3A_411 = tpu.vector_load %arg6[%parallel_loop3A_409, %parallel_loop3A_410] {strides = array<i32>} : memref<224x128xf32, #tpu.memory_space<vmem>>, vector<1x16xf32>,
      %parallel_loop3A_412 = vector.shape_cast %parallel_loop3A_411 : vector<1x16xf32> to vector<16xf32>
      %parallel_loop3A_413 = arith.addf %parallel_loop3A_394, %parallel_loop3A_412 : vector<16xf32>
      %parallel_loop3A_414 = arith.index_cast %parallel_loop3A_391 : i32 to index
      %parallel_loop3A_415 = arith.constant 48 : index
      %parallel_loop3A_416 = tpu.vector_load %arg6[%parallel_loop3A_414, %parallel_loop3A_415] {strides = array<i32>} : memref<224x128xf32, #tpu.memory_space<vmem>>, vector<1x16xf32>,
      %parallel_loop3A_417 = vector.shape_cast %parallel_loop3A_416 : vector<1x16xf32> to vector<16xf32>
      %parallel_loop3A_418 = arith.addf %parallel_loop3A_395, %parallel_loop3A_417 : vector<16xf32>
      %parallel_loop3A_419 = arith.index_cast %parallel_loop3A_391 : i32 to index
      %parallel_loop3A_420 = arith.constant 64 : index
      %parallel_loop3A_421 = tpu.vector_load %arg6[%parallel_loop3A_419, %parallel_loop3A_420] {strides = array<i32>} : memref<224x128xf32, #tpu.memory_space<vmem>>, vector<1x16xf32>,
      %parallel_loop3A_422 = vector.shape_cast %parallel_loop3A_421 : vector<1x16xf32> to vector<16xf32>
      %parallel_loop3A_423 = arith.addf %parallel_loop3A_396, %parallel_loop3A_422 : vector<16xf32>
      %parallel_loop3A_424 = arith.index_cast %parallel_loop3A_391 : i32 to index
      %parallel_loop3A_425 = arith.constant 80 : index
      %parallel_loop3A_426 = tpu.vector_load %arg6[%parallel_loop3A_424, %parallel_loop3A_425] {strides = array<i32>} : memref<224x128xf32, #tpu.memory_space<vmem>>, vector<1x16xf32>,
      %parallel_loop3A_427 = vector.shape_cast %parallel_loop3A_426 : vector<1x16xf32> to vector<16xf32>
      %parallel_loop3A_428 = arith.addf %parallel_loop3A_397, %parallel_loop3A_427 : vector<16xf32>
      %parallel_loop3A_429 = arith.index_cast %parallel_loop3A_391 : i32 to index
      %parallel_loop3A_430 = arith.constant 96 : index
      %parallel_loop3A_431 = tpu.vector_load %arg6[%parallel_loop3A_429, %parallel_loop3A_430] {strides = array<i32>} : memref<224x128xf32, #tpu.memory_space<vmem>>, vector<1x16xf32>,
      %parallel_loop3A_432 = vector.shape_cast %parallel_loop3A_431 : vector<1x16xf32> to vector<16xf32>
      %parallel_loop3A_433 = arith.addf %parallel_loop3A_398, %parallel_loop3A_432 : vector<16xf32>
      scf.yield %parallel_loop3A_403, %parallel_loop3A_408, %parallel_loop3A_413, %parallel_loop3A_418, %parallel_loop3A_423, %parallel_loop3A_428, %parallel_loop3A_433 : vector<16xf32>, vector<16xf32>, vector<16xf32>, vector<16xf32>, vector<16xf32>, vector<16xf32>, vector<16xf32>
    } {sc.loop_unroll_factor = 4 : i64, sc.parallel_access}
    %parallel_loop3A_32 = arith.constant 200 : i32
    %parallel_loop3A_33 = arith.constant 220 : i32
    %parallel_loop3A_34 = arith.constant 1 : i32
    %parallel_loop3A_35:7 = scf.for %parallel_loop3A_391 = %parallel_loop3A_32 to %parallel_loop3A_33 step %parallel_loop3A_34 iter_args(%parallel_loop3A_392 = %broadcast_in_dim3A_5, %parallel_loop3A_393 = %broadcast_in_dim3A_5, %parallel_loop3A_394 = %broadcast_in_dim3A_5, %parallel_loop3A_395 = %broadcast_in_dim3A_5, %parallel_loop3A_396 = %broadcast_in_dim3A_5, %parallel_loop3A_397 = %broadcast_in_dim3A_5, %parallel_loop3A_398 = %broadcast_in_dim3A_5) -> (vector<16xf32>, vector<16xf32>, vector<16xf32>, vector<16xf32>, vector<16xf32>, vector<16xf32>, vector<16xf32>)  : i32 {
      %parallel_loop3A_399 = arith.index_cast %parallel_loop3A_391 : i32 to index
      %parallel_loop3A_400 = arith.constant 0 : index
      %parallel_loop3A_401 = tpu.vector_load %arg6[%parallel_loop3A_399, %parallel_loop3A_400] {strides = array<i32>} : memref<224x128xf32, #tpu.memory_space<vmem>>, vector<1x16xf32>,
      %parallel_loop3A_402 = vector.shape_cast %parallel_loop3A_401 : vector<1x16xf32> to vector<16xf32>
      %parallel_loop3A_403 = arith.addf %parallel_loop3A_392, %parallel_loop3A_402 : vector<16xf32>
      %parallel_loop3A_404 = arith.index_cast %parallel_loop3A_391 : i32 to index
      %parallel_loop3A_405 = arith.constant 16 : index
      %parallel_loop3A_406 = tpu.vector_load %arg6[%parallel_loop3A_404, %parallel_loop3A_405] {strides = array<i32>} : memref<224x128xf32, #tpu.memory_space<vmem>>, vector<1x16xf32>,
      %parallel_loop3A_407 = vector.shape_cast %parallel_loop3A_406 : vector<1x16xf32> to vector<16xf32>
      %parallel_loop3A_408 = arith.addf %parallel_loop3A_393, %parallel_loop3A_407 : vector<16xf32>
      %parallel_loop3A_409 = arith.index_cast %parallel_loop3A_391 : i32 to index
      %parallel_loop3A_410 = arith.constant 32 : index
      %parallel_loop3A_411 = tpu.vector_load %arg6[%parallel_loop3A_409, %parallel_loop3A_410] {strides = array<i32>} : memref<224x128xf32, #tpu.memory_space<vmem>>, vector<1x16xf32>,
      %parallel_loop3A_412 = vector.shape_cast %parallel_loop3A_411 : vector<1x16xf32> to vector<16xf32>
      %parallel_loop3A_413 = arith.addf %parallel_loop3A_394, %parallel_loop3A_412 : vector<16xf32>
      %parallel_loop3A_414 = arith.index_cast %parallel_loop3A_391 : i32 to index
      %parallel_loop3A_415 = arith.constant 48 : index
      %parallel_loop3A_416 = tpu.vector_load %arg6[%parallel_loop3A_414, %parallel_loop3A_415] {strides = array<i32>} : memref<224x128xf32, #tpu.memory_space<vmem>>, vector<1x16xf32>,
      %parallel_loop3A_417 = vector.shape_cast %parallel_loop3A_416 : vector<1x16xf32> to vector<16xf32>
      %parallel_loop3A_418 = arith.addf %parallel_loop3A_395, %parallel_loop3A_417 : vector<16xf32>
      %parallel_loop3A_419 = arith.index_cast %parallel_loop3A_391 : i32 to index
      %parallel_loop3A_420 = arith.constant 64 : index
      %parallel_loop3A_421 = tpu.vector_load %arg6[%parallel_loop3A_419, %parallel_loop3A_420] {strides = array<i32>} : memref<224x128xf32, #tpu.memory_space<vmem>>, vector<1x16xf32>,
      %parallel_loop3A_422 = vector.shape_cast %parallel_loop3A_421 : vector<1x16xf32> to vector<16xf32>
      %parallel_loop3A_423 = arith.addf %parallel_loop3A_396, %parallel_loop3A_422 : vector<16xf32>
      %parallel_loop3A_424 = arith.index_cast %parallel_loop3A_391 : i32 to index
      %parallel_loop3A_425 = arith.constant 80 : index
      %parallel_loop3A_426 = tpu.vector_load %arg6[%parallel_loop3A_424, %parallel_loop3A_425] {strides = array<i32>} : memref<224x128xf32, #tpu.memory_space<vmem>>, vector<1x16xf32>,
      %parallel_loop3A_427 = vector.shape_cast %parallel_loop3A_426 : vector<1x16xf32> to vector<16xf32>
      %parallel_loop3A_428 = arith.addf %parallel_loop3A_397, %parallel_loop3A_427 : vector<16xf32>
      %parallel_loop3A_429 = arith.index_cast %parallel_loop3A_391 : i32 to index
      %parallel_loop3A_430 = arith.constant 96 : index
      %parallel_loop3A_431 = tpu.vector_load %arg6[%parallel_loop3A_429, %parallel_loop3A_430] {strides = array<i32>} : memref<224x128xf32, #tpu.memory_space<vmem>>, vector<1x16xf32>,
      %parallel_loop3A_432 = vector.shape_cast %parallel_loop3A_431 : vector<1x16xf32> to vector<16xf32>
      %parallel_loop3A_433 = arith.addf %parallel_loop3A_398, %parallel_loop3A_432 : vector<16xf32>
      scf.yield %parallel_loop3A_403, %parallel_loop3A_408, %parallel_loop3A_413, %parallel_loop3A_418, %parallel_loop3A_423, %parallel_loop3A_428, %parallel_loop3A_433 : vector<16xf32>, vector<16xf32>, vector<16xf32>, vector<16xf32>, vector<16xf32>, vector<16xf32>, vector<16xf32>
    } {sc.loop_unroll_factor = 4 : i64, sc.parallel_access}
    %rem3A = arith.constant 126 : i32
    %rem3A_36 = arith.constant 16 : i32
    %rem3A_37 = arith.remsi %rem3A, %rem3A_36 : i32
    %mul3A_38 = arith.constant 5.000000e-03 : f32
    %mul3A_39 = vector.broadcast %mul3A_38 : f32 to vector<16xf32>
    %mul3A_40 = arith.mulf %parallel_loop3A_31#0, %mul3A_39 : vector<16xf32>
    %max3A = arith.constant 0.000000e+00 : f32
    %max3A_41 = vector.broadcast %max3A : f32 to vector<16xf32>
    %max3A_42 = arith.maximumf %mul3A_40, %max3A_41 : vector<16xf32>
    %swap3A = arith.index_cast %rem3A_37 : i32 to index
    %swap3A_43 = arith.constant 0 : index
    %swap3A_44 = tpu.vector_load %arg9[%swap3A, %swap3A_43] {strides = array<i32>} : memref<16x256xf32, #tpu.memory_space<vmem>>, vector<1x16xf32>,
    %swap3A_45 = vector.shape_cast %swap3A_44 : vector<1x16xf32> to vector<16xf32>
    %swap3A_46 = vector.shape_cast %max3A_42 : vector<16xf32> to vector<1x16xf32>
    tpu.vector_store %arg9[%swap3A, %swap3A_43], %swap3A_46 {strides = array<i32>} : memref<16x256xf32, #tpu.memory_space<vmem>>, vector<1x16xf32>,
    %mul3A_47 = arith.constant 5.000000e-03 : f32
    %mul3A_48 = vector.broadcast %mul3A_47 : f32 to vector<16xf32>
    %mul3A_49 = arith.mulf %parallel_loop3A_31#1, %mul3A_48 : vector<16xf32>
    %max3A_50 = arith.constant 0.000000e+00 : f32
    %max3A_51 = vector.broadcast %max3A_50 : f32 to vector<16xf32>
    %max3A_52 = arith.maximumf %mul3A_49, %max3A_51 : vector<16xf32>
    %swap3A_53 = arith.index_cast %rem3A_37 : i32 to index
    %swap3A_54 = arith.constant 16 : index
    %swap3A_55 = tpu.vector_load %arg9[%swap3A_53, %swap3A_54] {strides = array<i32>} : memref<16x256xf32, #tpu.memory_space<vmem>>, vector<1x16xf32>,
    %swap3A_56 = vector.shape_cast %swap3A_55 : vector<1x16xf32> to vector<16xf32>
    %swap3A_57 = vector.shape_cast %max3A_52 : vector<16xf32> to vector<1x16xf32>
    tpu.vector_store %arg9[%swap3A_53, %swap3A_54], %swap3A_57 {strides = array<i32>} : memref<16x256xf32, #tpu.memory_space<vmem>>, vector<1x16xf32>,
    %mul3A_58 = arith.constant 5.000000e-03 : f32
    %mul3A_59 = vector.broadcast %mul3A_58 : f32 to vector<16xf32>
    %mul3A_60 = arith.mulf %parallel_loop3A_31#2, %mul3A_59 : vector<16xf32>
    %max3A_61 = arith.constant 0.000000e+00 : f32
    %max3A_62 = vector.broadcast %max3A_61 : f32 to vector<16xf32>
    %max3A_63 = arith.maximumf %mul3A_60, %max3A_62 : vector<16xf32>
    %swap3A_64 = arith.index_cast %rem3A_37 : i32 to index
    %swap3A_65 = arith.constant 32 : index
    %swap3A_66 = tpu.vector_load %arg9[%swap3A_64, %swap3A_65] {strides = array<i32>} : memref<16x256xf32, #tpu.memory_space<vmem>>, vector<1x16xf32>,
    %swap3A_67 = vector.shape_cast %swap3A_66 : vector<1x16xf32> to vector<16xf32>
    %swap3A_68 = vector.shape_cast %max3A_63 : vector<16xf32> to vector<1x16xf32>
    tpu.vector_store %arg9[%swap3A_64, %swap3A_65], %swap3A_68 {strides = array<i32>} : memref<16x256xf32, #tpu.memory_space<vmem>>, vector<1x16xf32>,
    %mul3A_69 = arith.constant 5.000000e-03 : f32
    %mul3A_70 = vector.broadcast %mul3A_69 : f32 to vector<16xf32>
    %mul3A_71 = arith.mulf %parallel_loop3A_31#3, %mul3A_70 : vector<16xf32>
    %max3A_72 = arith.constant 0.000000e+00 : f32
    %max3A_73 = vector.broadcast %max3A_72 : f32 to vector<16xf32>
    %max3A_74 = arith.maximumf %mul3A_71, %max3A_73 : vector<16xf32>
    %swap3A_75 = arith.index_cast %rem3A_37 : i32 to index
    %swap3A_76 = arith.constant 48 : index
    %swap3A_77 = tpu.vector_load %arg9[%swap3A_75, %swap3A_76] {strides = array<i32>} : memref<16x256xf32, #tpu.memory_space<vmem>>, vector<1x16xf32>,
    %swap3A_78 = vector.shape_cast %swap3A_77 : vector<1x16xf32> to vector<16xf32>
    %swap3A_79 = vector.shape_cast %max3A_74 : vector<16xf32> to vector<1x16xf32>
    tpu.vector_store %arg9[%swap3A_75, %swap3A_76], %swap3A_79 {strides = array<i32>} : memref<16x256xf32, #tpu.memory_space<vmem>>, vector<1x16xf32>,
    %mul3A_80 = arith.constant 5.000000e-03 : f32
    %mul3A_81 = vector.broadcast %mul3A_80 : f32 to vector<16xf32>
    %mul3A_82 = arith.mulf %parallel_loop3A_31#4, %mul3A_81 : vector<16xf32>
    %max3A_83 = arith.constant 0.000000e+00 : f32
    %max3A_84 = vector.broadcast %max3A_83 : f32 to vector<16xf32>
    %max3A_85 = arith.maximumf %mul3A_82, %max3A_84 : vector<16xf32>
    %swap3A_86 = arith.index_cast %rem3A_37 : i32 to index
    %swap3A_87 = arith.constant 64 : index
    %swap3A_88 = tpu.vector_load %arg9[%swap3A_86, %swap3A_87] {strides = array<i32>} : memref<16x256xf32, #tpu.memory_space<vmem>>, vector<1x16xf32>,
    %swap3A_89 = vector.shape_cast %swap3A_88 : vector<1x16xf32> to vector<16xf32>
    %swap3A_90 = vector.shape_cast %max3A_85 : vector<16xf32> to vector<1x16xf32>
    tpu.vector_store %arg9[%swap3A_86, %swap3A_87], %swap3A_90 {strides = array<i32>} : memref<16x256xf32, #tpu.memory_space<vmem>>, vector<1x16xf32>,
    %mul3A_91 = arith.constant 5.000000e-03 : f32
    %mul3A_92 = vector.broadcast %mul3A_91 : f32 to vector<16xf32>
    %mul3A_93 = arith.mulf %parallel_loop3A_31#5, %mul3A_92 : vector<16xf32>
    %max3A_94 = arith.constant 0.000000e+00 : f32
    %max3A_95 = vector.broadcast %max3A_94 : f32 to vector<16xf32>
    %max3A_96 = arith.maximumf %mul3A_93, %max3A_95 : vector<16xf32>
    %swap3A_97 = arith.index_cast %rem3A_37 : i32 to index
    %swap3A_98 = arith.constant 80 : index
    %swap3A_99 = tpu.vector_load %arg9[%swap3A_97, %swap3A_98] {strides = array<i32>} : memref<16x256xf32, #tpu.memory_space<vmem>>, vector<1x16xf32>,
    %swap3A_100 = vector.shape_cast %swap3A_99 : vector<1x16xf32> to vector<16xf32>
    %swap3A_101 = vector.shape_cast %max3A_96 : vector<16xf32> to vector<1x16xf32>
    tpu.vector_store %arg9[%swap3A_97, %swap3A_98], %swap3A_101 {strides = array<i32>} : memref<16x256xf32, #tpu.memory_space<vmem>>, vector<1x16xf32>,
    %mul3A_102 = arith.constant 5.000000e-03 : f32
    %mul3A_103 = vector.broadcast %mul3A_102 : f32 to vector<16xf32>
    %mul3A_104 = arith.mulf %parallel_loop3A_31#6, %mul3A_103 : vector<16xf32>
    %max3A_105 = arith.constant 0.000000e+00 : f32
    %max3A_106 = vector.broadcast %max3A_105 : f32 to vector<16xf32>
    %max3A_107 = arith.maximumf %mul3A_104, %max3A_106 : vector<16xf32>
    %swap3A_108 = arith.index_cast %rem3A_37 : i32 to index
    %swap3A_109 = arith.constant 96 : index
    %swap3A_110 = tpu.vector_load %arg9[%swap3A_108, %swap3A_109] {strides = array<i32>} : memref<16x256xf32, #tpu.memory_space<vmem>>, vector<1x16xf32>,
    %swap3A_111 = vector.shape_cast %swap3A_110 : vector<1x16xf32> to vector<16xf32>
    %swap3A_112 = vector.shape_cast %max3A_107 : vector<16xf32> to vector<1x16xf32>
    tpu.vector_store %arg9[%swap3A_108, %swap3A_109], %swap3A_112 {strides = array<i32>} : memref<16x256xf32, #tpu.memory_space<vmem>>, vector<1x16xf32>,
    %mul3A_113 = arith.constant 5.000000e-02 : f32
    %mul3A_114 = vector.broadcast %mul3A_113 : f32 to vector<16xf32>
    %mul3A_115 = arith.mulf %parallel_loop3A_35#0, %mul3A_114 : vector<16xf32>
    %max3A_116 = arith.constant 0.000000e+00 : f32
    %max3A_117 = vector.broadcast %max3A_116 : f32 to vector<16xf32>
    %max3A_118 = arith.maximumf %mul3A_115, %max3A_117 : vector<16xf32>
    %swap3A_119 = arith.index_cast %rem3A_37 : i32 to index
    %swap3A_120 = arith.constant 112 : index
    %swap3A_121 = tpu.vector_load %arg9[%swap3A_119, %swap3A_120] {strides = array<i32>} : memref<16x256xf32, #tpu.memory_space<vmem>>, vector<1x16xf32>,
    %swap3A_122 = vector.shape_cast %swap3A_121 : vector<1x16xf32> to vector<16xf32>
    %swap3A_123 = vector.shape_cast %max3A_118 : vector<16xf32> to vector<1x16xf32>
    tpu.vector_store %arg9[%swap3A_119, %swap3A_120], %swap3A_123 {strides = array<i32>} : memref<16x256xf32, #tpu.memory_space<vmem>>, vector<1x16xf32>,
    %mul3A_124 = arith.constant 5.000000e-02 : f32
    %mul3A_125 = vector.broadcast %mul3A_124 : f32 to vector<16xf32>
    %mul3A_126 = arith.mulf %parallel_loop3A_35#1, %mul3A_125 : vector<16xf32>
    %max3A_127 = arith.constant 0.000000e+00 : f32
    %max3A_128 = vector.broadcast %max3A_127 : f32 to vector<16xf32>
    %max3A_129 = arith.maximumf %mul3A_126, %max3A_128 : vector<16xf32>
    %swap3A_130 = arith.index_cast %rem3A_37 : i32 to index
    %swap3A_131 = arith.constant 128 : index
    %swap3A_132 = tpu.vector_load %arg9[%swap3A_130, %swap3A_131] {strides = array<i32>} : memref<16x256xf32, #tpu.memory_space<vmem>>, vector<1x16xf32>,
    %swap3A_133 = vector.shape_cast %swap3A_132 : vector<1x16xf32> to vector<16xf32>
    %swap3A_134 = vector.shape_cast %max3A_129 : vector<16xf32> to vector<1x16xf32>
    tpu.vector_store %arg9[%swap3A_130, %swap3A_131], %swap3A_134 {strides = array<i32>} : memref<16x256xf32, #tpu.memory_space<vmem>>, vector<1x16xf32>,
    %mul3A_135 = arith.constant 5.000000e-02 : f32
    %mul3A_136 = vector.broadcast %mul3A_135 : f32 to vector<16xf32>
    %mul3A_137 = arith.mulf %parallel_loop3A_35#2, %mul3A_136 : vector<16xf32>
    %max3A_138 = arith.constant 0.000000e+00 : f32
    %max3A_139 = vector.broadcast %max3A_138 : f32 to vector<16xf32>
    %max3A_140 = arith.maximumf %mul3A_137, %max3A_139 : vector<16xf32>
    %swap3A_141 = arith.index_cast %rem3A_37 : i32 to index
    %swap3A_142 = arith.constant 144 : index
    %swap3A_143 = tpu.vector_load %arg9[%swap3A_141, %swap3A_142] {strides = array<i32>} : memref<16x256xf32, #tpu.memory_space<vmem>>, vector<1x16xf32>,
    %swap3A_144 = vector.shape_cast %swap3A_143 : vector<1x16xf32> to vector<16xf32>
    %swap3A_145 = vector.shape_cast %max3A_140 : vector<16xf32> to vector<1x16xf32>
    tpu.vector_store %arg9[%swap3A_141, %swap3A_142], %swap3A_145 {strides = array<i32>} : memref<16x256xf32, #tpu.memory_space<vmem>>, vector<1x16xf32>,
    %mul3A_146 = arith.constant 5.000000e-02 : f32
    %mul3A_147 = vector.broadcast %mul3A_146 : f32 to vector<16xf32>
    %mul3A_148 = arith.mulf %parallel_loop3A_35#3, %mul3A_147 : vector<16xf32>
    %max3A_149 = arith.constant 0.000000e+00 : f32
    %max3A_150 = vector.broadcast %max3A_149 : f32 to vector<16xf32>
    %max3A_151 = arith.maximumf %mul3A_148, %max3A_150 : vector<16xf32>
    %swap3A_152 = arith.index_cast %rem3A_37 : i32 to index
    %swap3A_153 = arith.constant 160 : index
    %swap3A_154 = tpu.vector_load %arg9[%swap3A_152, %swap3A_153] {strides = array<i32>} : memref<16x256xf32, #tpu.memory_space<vmem>>, vector<1x16xf32>,
    %swap3A_155 = vector.shape_cast %swap3A_154 : vector<1x16xf32> to vector<16xf32>
    %swap3A_156 = vector.shape_cast %max3A_151 : vector<16xf32> to vector<1x16xf32>
    tpu.vector_store %arg9[%swap3A_152, %swap3A_153], %swap3A_156 {strides = array<i32>} : memref<16x256xf32, #tpu.memory_space<vmem>>, vector<1x16xf32>,
    %mul3A_157 = arith.constant 5.000000e-02 : f32
    %mul3A_158 = vector.broadcast %mul3A_157 : f32 to vector<16xf32>
    %mul3A_159 = arith.mulf %parallel_loop3A_35#4, %mul3A_158 : vector<16xf32>
    %max3A_160 = arith.constant 0.000000e+00 : f32
    %max3A_161 = vector.broadcast %max3A_160 : f32 to vector<16xf32>
    %max3A_162 = arith.maximumf %mul3A_159, %max3A_161 : vector<16xf32>
    %swap3A_163 = arith.index_cast %rem3A_37 : i32 to index
    %swap3A_164 = arith.constant 176 : index
    %swap3A_165 = tpu.vector_load %arg9[%swap3A_163, %swap3A_164] {strides = array<i32>} : memref<16x256xf32, #tpu.memory_space<vmem>>, vector<1x16xf32>,
    %swap3A_166 = vector.shape_cast %swap3A_165 : vector<1x16xf32> to vector<16xf32>
    %swap3A_167 = vector.shape_cast %max3A_162 : vector<16xf32> to vector<1x16xf32>
    tpu.vector_store %arg9[%swap3A_163, %swap3A_164], %swap3A_167 {strides = array<i32>} : memref<16x256xf32, #tpu.memory_space<vmem>>, vector<1x16xf32>,
    %mul3A_168 = arith.constant 5.000000e-02 : f32
    %mul3A_169 = vector.broadcast %mul3A_168 : f32 to vector<16xf32>
    %mul3A_170 = arith.mulf %parallel_loop3A_35#5, %mul3A_169 : vector<16xf32>
    %max3A_171 = arith.constant 0.000000e+00 : f32
    %max3A_172 = vector.broadcast %max3A_171 : f32 to vector<16xf32>
    %max3A_173 = arith.maximumf %mul3A_170, %max3A_172 : vector<16xf32>
    %swap3A_174 = arith.index_cast %rem3A_37 : i32 to index
    %swap3A_175 = arith.constant 192 : index
    %swap3A_176 = tpu.vector_load %arg9[%swap3A_174, %swap3A_175] {strides = array<i32>} : memref<16x256xf32, #tpu.memory_space<vmem>>, vector<1x16xf32>,
    %swap3A_177 = vector.shape_cast %swap3A_176 : vector<1x16xf32> to vector<16xf32>
    %swap3A_178 = vector.shape_cast %max3A_173 : vector<16xf32> to vector<1x16xf32>
    tpu.vector_store %arg9[%swap3A_174, %swap3A_175], %swap3A_178 {strides = array<i32>} : memref<16x256xf32, #tpu.memory_space<vmem>>, vector<1x16xf32>,
    %mul3A_179 = arith.constant 5.000000e-02 : f32
    %mul3A_180 = vector.broadcast %mul3A_179 : f32 to vector<16xf32>
    %mul3A_181 = arith.mulf %parallel_loop3A_35#6, %mul3A_180 : vector<16xf32>
    %max3A_182 = arith.constant 0.000000e+00 : f32
    %max3A_183 = vector.broadcast %max3A_182 : f32 to vector<16xf32>
    %max3A_184 = arith.maximumf %mul3A_181, %max3A_183 : vector<16xf32>
    %swap3A_185 = arith.index_cast %rem3A_37 : i32 to index
    %swap3A_186 = arith.constant 208 : index
    %swap3A_187 = tpu.vector_load %arg9[%swap3A_185, %swap3A_186] {strides = array<i32>} : memref<16x256xf32, #tpu.memory_space<vmem>>, vector<1x16xf32>,
    %swap3A_188 = vector.shape_cast %swap3A_187 : vector<1x16xf32> to vector<16xf32>
    %swap3A_189 = vector.shape_cast %max3A_184 : vector<16xf32> to vector<1x16xf32>
    tpu.vector_store %arg9[%swap3A_185, %swap3A_186], %swap3A_189 {strides = array<i32>} : memref<16x256xf32, #tpu.memory_space<vmem>>, vector<1x16xf32>,
    %swap3A_190 = arith.index_cast %rem3A_37 : i32 to index
    %swap3A_191 = arith.constant 224 : index
    %swap3A_192 = tpu.vector_load %arg9[%swap3A_190, %swap3A_191] {strides = array<i32>} : memref<16x256xf32, #tpu.memory_space<vmem>>, vector<1x16xf32>,
    %swap3A_193 = vector.shape_cast %swap3A_192 : vector<1x16xf32> to vector<16xf32>
    %swap3A_194 = vector.shape_cast %broadcast_in_dim3A_5 : vector<16xf32> to vector<1x16xf32>
    tpu.vector_store %arg9[%swap3A_190, %swap3A_191], %swap3A_194 {strides = array<i32>} : memref<16x256xf32, #tpu.memory_space<vmem>>, vector<1x16xf32>,
    %swap3A_195 = arith.index_cast %rem3A_37 : i32 to index
    %swap3A_196 = arith.constant 240 : index
    %swap3A_197 = tpu.vector_load %arg9[%swap3A_195, %swap3A_196] {strides = array<i32>} : memref<16x256xf32, #tpu.memory_space<vmem>>, vector<1x16xf32>,
    %swap3A_198 = vector.shape_cast %swap3A_197 : vector<1x16xf32> to vector<16xf32>
    %swap3A_199 = vector.shape_cast %broadcast_in_dim3A_5 : vector<16xf32> to vector<1x16xf32>
    tpu.vector_store %arg9[%swap3A_195, %swap3A_196], %swap3A_199 {strides = array<i32>} : memref<16x256xf32, #tpu.memory_space<vmem>>, vector<1x16xf32>,
    %eq3A = arith.constant 15 : i32
    %eq3A_200 = arith.cmpi eq, %rem3A_37, %eq3A : i32
    %convert_element_type3A = arith.extui %eq3A_200 : i1 to i32
    %cond3A = arith.constant 126 : i32
    %cond3A_201 = arith.constant 0 : i32
    %cond3A_202 = arith.cmpi ne, %convert_element_type3A, %cond3A_201 : i32
    scf.if %cond3A_202 {
      %add3A_391 = arith.addi %mul3A_2, %cond3A : i32
      %sub3A = arith.constant 15 : i32
      %sub3A_392 = arith.subi %add3A_391, %sub3A : i32
      %multiple_of3A = tpu.assume_multiple %sub3A_392, 16 : i32
      "tpu.region"() ({
        %run_scoped3A = tpu.sem_alloc : memref<!tpu.dma_semaphore, #tpu.memory_space<semaphore_mem>>
        %dma_start3A_393 = arith.constant 0 : i32
        %dma_start3A_394 = tpu.memref_slice %arg4[%multiple_of3A, %dma_start3A_393] : memref<4096x256xf32, #tpu.memory_space<hbm>> -> memref<16x256xf32, #tpu.memory_space<hbm>>
        %dma_start3A_395 = arith.constant 0 : i32
        %dma_start3A_396 = tpu.memref_slice %arg4[%multiple_of3A, %dma_start3A_395] : memref<4096x256xf32, #tpu.memory_space<hbm>> -> memref<16x256xf32, #tpu.memory_space<hbm>>
        tpu.enqueue_dma source(%arg9 : memref<16x256xf32, #tpu.memory_space<vmem>>) target(%dma_start3A_396 : memref<16x256xf32, #tpu.memory_space<hbm>>) target_semaphore(%run_scoped3A : memref<!tpu.dma_semaphore, #tpu.memory_space<semaphore_mem>>)
        %dma_wait3A_397 = arith.constant 0 : i32
        %dma_wait3A_398 = tpu.memref_slice %arg4[%multiple_of3A, %dma_wait3A_397] : memref<4096x256xf32, #tpu.memory_space<hbm>> -> memref<16x256xf32, #tpu.memory_space<hbm>>
        %dma_wait3A_399 = arith.constant 0 : i32
        %dma_wait3A_400 = tpu.memref_slice %arg4[%multiple_of3A, %dma_wait3A_399] : memref<4096x256xf32, #tpu.memory_space<hbm>> -> memref<16x256xf32, #tpu.memory_space<hbm>>
        tpu.wait_dma2 semaphore(%run_scoped3A : memref<!tpu.dma_semaphore, #tpu.memory_space<semaphore_mem>>) src(%arg9 : memref<16x256xf32, #tpu.memory_space<vmem>>) dst(%dma_wait3A_400 : memref<16x256xf32, #tpu.memory_space<hbm>>)
        tpu.yield
      }) : () -> ()
    } else {
    }
    %mul3A_203 = arith.constant 127 : i32
    %mul3A_204 = arith.constant 256 : i32
    %mul3A_205 = arith.muli %mul3A_203, %mul3A_204 : i32
    %dma_wait3A_206 = tpu.memref_slice %arg5[%mul3A_205] : memref<32768xi32, #tpu.memory_space<vmem>> -> memref<224xi32, #tpu.memory_space<vmem>>
    %dma_wait3A_207 = arith.constant 0 : i32
    %dma_wait3A_208 = arith.constant 0 : i32
    %dma_wait3A_209 = tpu.memref_slice %arg3[%dma_wait3A_207, %dma_wait3A_208] : memref<1000000x128xf32, #tpu.memory_space<hbm>> -> memref<1000000x128xf32, #tpu.memory_space<hbm>>
    tpu.wait_indirect_dma semaphore(%arg11 : memref<!tpu.dma_semaphore, #tpu.memory_space<semaphore_mem>>) src(%dma_wait3A_209 : memref<1000000x128xf32, #tpu.memory_space<hbm>>) dst(%arg7 : memref<224x128xf32, #tpu.memory_space<vmem>>)
    %parallel_loop3A_210 = arith.constant 0 : i32
    %parallel_loop3A_211 = arith.constant 200 : i32
    %parallel_loop3A_212 = arith.constant 1 : i32
    %parallel_loop3A_213:7 = scf.for %parallel_loop3A_391 = %parallel_loop3A_210 to %parallel_loop3A_211 step %parallel_loop3A_212 iter_args(%parallel_loop3A_392 = %broadcast_in_dim3A_5, %parallel_loop3A_393 = %broadcast_in_dim3A_5, %parallel_loop3A_394 = %broadcast_in_dim3A_5, %parallel_loop3A_395 = %broadcast_in_dim3A_5, %parallel_loop3A_396 = %broadcast_in_dim3A_5, %parallel_loop3A_397 = %broadcast_in_dim3A_5, %parallel_loop3A_398 = %broadcast_in_dim3A_5) -> (vector<16xf32>, vector<16xf32>, vector<16xf32>, vector<16xf32>, vector<16xf32>, vector<16xf32>, vector<16xf32>)  : i32 {
      %parallel_loop3A_399 = arith.index_cast %parallel_loop3A_391 : i32 to index
      %parallel_loop3A_400 = arith.constant 0 : index
      %parallel_loop3A_401 = tpu.vector_load %arg7[%parallel_loop3A_399, %parallel_loop3A_400] {strides = array<i32>} : memref<224x128xf32, #tpu.memory_space<vmem>>, vector<1x16xf32>,
      %parallel_loop3A_402 = vector.shape_cast %parallel_loop3A_401 : vector<1x16xf32> to vector<16xf32>
      %parallel_loop3A_403 = arith.addf %parallel_loop3A_392, %parallel_loop3A_402 : vector<16xf32>
      %parallel_loop3A_404 = arith.index_cast %parallel_loop3A_391 : i32 to index
      %parallel_loop3A_405 = arith.constant 16 : index
      %parallel_loop3A_406 = tpu.vector_load %arg7[%parallel_loop3A_404, %parallel_loop3A_405] {strides = array<i32>} : memref<224x128xf32, #tpu.memory_space<vmem>>, vector<1x16xf32>,
      %parallel_loop3A_407 = vector.shape_cast %parallel_loop3A_406 : vector<1x16xf32> to vector<16xf32>
      %parallel_loop3A_408 = arith.addf %parallel_loop3A_393, %parallel_loop3A_407 : vector<16xf32>
      %parallel_loop3A_409 = arith.index_cast %parallel_loop3A_391 : i32 to index
      %parallel_loop3A_410 = arith.constant 32 : index
      %parallel_loop3A_411 = tpu.vector_load %arg7[%parallel_loop3A_409, %parallel_loop3A_410] {strides = array<i32>} : memref<224x128xf32, #tpu.memory_space<vmem>>, vector<1x16xf32>,
      %parallel_loop3A_412 = vector.shape_cast %parallel_loop3A_411 : vector<1x16xf32> to vector<16xf32>
      %parallel_loop3A_413 = arith.addf %parallel_loop3A_394, %parallel_loop3A_412 : vector<16xf32>
      %parallel_loop3A_414 = arith.index_cast %parallel_loop3A_391 : i32 to index
      %parallel_loop3A_415 = arith.constant 48 : index
      %parallel_loop3A_416 = tpu.vector_load %arg7[%parallel_loop3A_414, %parallel_loop3A_415] {strides = array<i32>} : memref<224x128xf32, #tpu.memory_space<vmem>>, vector<1x16xf32>,
      %parallel_loop3A_417 = vector.shape_cast %parallel_loop3A_416 : vector<1x16xf32> to vector<16xf32>
      %parallel_loop3A_418 = arith.addf %parallel_loop3A_395, %parallel_loop3A_417 : vector<16xf32>
      %parallel_loop3A_419 = arith.index_cast %parallel_loop3A_391 : i32 to index
      %parallel_loop3A_420 = arith.constant 64 : index
      %parallel_loop3A_421 = tpu.vector_load %arg7[%parallel_loop3A_419, %parallel_loop3A_420] {strides = array<i32>} : memref<224x128xf32, #tpu.memory_space<vmem>>, vector<1x16xf32>,
      %parallel_loop3A_422 = vector.shape_cast %parallel_loop3A_421 : vector<1x16xf32> to vector<16xf32>
      %parallel_loop3A_423 = arith.addf %parallel_loop3A_396, %parallel_loop3A_422 : vector<16xf32>
      %parallel_loop3A_424 = arith.index_cast %parallel_loop3A_391 : i32 to index
      %parallel_loop3A_425 = arith.constant 80 : index
      %parallel_loop3A_426 = tpu.vector_load %arg7[%parallel_loop3A_424, %parallel_loop3A_425] {strides = array<i32>} : memref<224x128xf32, #tpu.memory_space<vmem>>, vector<1x16xf32>,
      %parallel_loop3A_427 = vector.shape_cast %parallel_loop3A_426 : vector<1x16xf32> to vector<16xf32>
      %parallel_loop3A_428 = arith.addf %parallel_loop3A_397, %parallel_loop3A_427 : vector<16xf32>
      %parallel_loop3A_429 = arith.index_cast %parallel_loop3A_391 : i32 to index
      %parallel_loop3A_430 = arith.constant 96 : index
      %parallel_loop3A_431 = tpu.vector_load %arg7[%parallel_loop3A_429, %parallel_loop3A_430] {strides = array<i32>} : memref<224x128xf32, #tpu.memory_space<vmem>>, vector<1x16xf32>,
      %parallel_loop3A_432 = vector.shape_cast %parallel_loop3A_431 : vector<1x16xf32> to vector<16xf32>
      %parallel_loop3A_433 = arith.addf %parallel_loop3A_398, %parallel_loop3A_432 : vector<16xf32>
      scf.yield %parallel_loop3A_403, %parallel_loop3A_408, %parallel_loop3A_413, %parallel_loop3A_418, %parallel_loop3A_423, %parallel_loop3A_428, %parallel_loop3A_433 : vector<16xf32>, vector<16xf32>, vector<16xf32>, vector<16xf32>, vector<16xf32>, vector<16xf32>, vector<16xf32>
    } {sc.loop_unroll_factor = 4 : i64, sc.parallel_access}
    %parallel_loop3A_214 = arith.constant 200 : i32
    %parallel_loop3A_215 = arith.constant 220 : i32
    %parallel_loop3A_216 = arith.constant 1 : i32
    %parallel_loop3A_217:7 = scf.for %parallel_loop3A_391 = %parallel_loop3A_214 to %parallel_loop3A_215 step %parallel_loop3A_216 iter_args(%parallel_loop3A_392 = %broadcast_in_dim3A_5, %parallel_loop3A_393 = %broadcast_in_dim3A_5, %parallel_loop3A_394 = %broadcast_in_dim3A_5, %parallel_loop3A_395 = %broadcast_in_dim3A_5, %parallel_loop3A_396 = %broadcast_in_dim3A_5, %parallel_loop3A_397 = %broadcast_in_dim3A_5, %parallel_loop3A_398 = %broadcast_in_dim3A_5) -> (vector<16xf32>, vector<16xf32>, vector<16xf32>, vector<16xf32>, vector<16xf32>, vector<16xf32>, vector<16xf32>)  : i32 {
      %parallel_loop3A_399 = arith.index_cast %parallel_loop3A_391 : i32 to index
      %parallel_loop3A_400 = arith.constant 0 : index
      %parallel_loop3A_401 = tpu.vector_load %arg7[%parallel_loop3A_399, %parallel_loop3A_400] {strides = array<i32>} : memref<224x128xf32, #tpu.memory_space<vmem>>, vector<1x16xf32>,
      %parallel_loop3A_402 = vector.shape_cast %parallel_loop3A_401 : vector<1x16xf32> to vector<16xf32>
      %parallel_loop3A_403 = arith.addf %parallel_loop3A_392, %parallel_loop3A_402 : vector<16xf32>
      %parallel_loop3A_404 = arith.index_cast %parallel_loop3A_391 : i32 to index
      %parallel_loop3A_405 = arith.constant 16 : index
      %parallel_loop3A_406 = tpu.vector_load %arg7[%parallel_loop3A_404, %parallel_loop3A_405] {strides = array<i32>} : memref<224x128xf32, #tpu.memory_space<vmem>>, vector<1x16xf32>,
      %parallel_loop3A_407 = vector.shape_cast %parallel_loop3A_406 : vector<1x16xf32> to vector<16xf32>
      %parallel_loop3A_408 = arith.addf %parallel_loop3A_393, %parallel_loop3A_407 : vector<16xf32>
      %parallel_loop3A_409 = arith.index_cast %parallel_loop3A_391 : i32 to index
      %parallel_loop3A_410 = arith.constant 32 : index
      %parallel_loop3A_411 = tpu.vector_load %arg7[%parallel_loop3A_409, %parallel_loop3A_410] {strides = array<i32>} : memref<224x128xf32, #tpu.memory_space<vmem>>, vector<1x16xf32>,
      %parallel_loop3A_412 = vector.shape_cast %parallel_loop3A_411 : vector<1x16xf32> to vector<16xf32>
      %parallel_loop3A_413 = arith.addf %parallel_loop3A_394, %parallel_loop3A_412 : vector<16xf32>
      %parallel_loop3A_414 = arith.index_cast %parallel_loop3A_391 : i32 to index
      %parallel_loop3A_415 = arith.constant 48 : index
      %parallel_loop3A_416 = tpu.vector_load %arg7[%parallel_loop3A_414, %parallel_loop3A_415] {strides = array<i32>} : memref<224x128xf32, #tpu.memory_space<vmem>>, vector<1x16xf32>,
      %parallel_loop3A_417 = vector.shape_cast %parallel_loop3A_416 : vector<1x16xf32> to vector<16xf32>
      %parallel_loop3A_418 = arith.addf %parallel_loop3A_395, %parallel_loop3A_417 : vector<16xf32>
      %parallel_loop3A_419 = arith.index_cast %parallel_loop3A_391 : i32 to index
      %parallel_loop3A_420 = arith.constant 64 : index
      %parallel_loop3A_421 = tpu.vector_load %arg7[%parallel_loop3A_419, %parallel_loop3A_420] {strides = array<i32>} : memref<224x128xf32, #tpu.memory_space<vmem>>, vector<1x16xf32>,
      %parallel_loop3A_422 = vector.shape_cast %parallel_loop3A_421 : vector<1x16xf32> to vector<16xf32>
      %parallel_loop3A_423 = arith.addf %parallel_loop3A_396, %parallel_loop3A_422 : vector<16xf32>
      %parallel_loop3A_424 = arith.index_cast %parallel_loop3A_391 : i32 to index
      %parallel_loop3A_425 = arith.constant 80 : index
      %parallel_loop3A_426 = tpu.vector_load %arg7[%parallel_loop3A_424, %parallel_loop3A_425] {strides = array<i32>} : memref<224x128xf32, #tpu.memory_space<vmem>>, vector<1x16xf32>,
      %parallel_loop3A_427 = vector.shape_cast %parallel_loop3A_426 : vector<1x16xf32> to vector<16xf32>
      %parallel_loop3A_428 = arith.addf %parallel_loop3A_397, %parallel_loop3A_427 : vector<16xf32>
      %parallel_loop3A_429 = arith.index_cast %parallel_loop3A_391 : i32 to index
      %parallel_loop3A_430 = arith.constant 96 : index
      %parallel_loop3A_431 = tpu.vector_load %arg7[%parallel_loop3A_429, %parallel_loop3A_430] {strides = array<i32>} : memref<224x128xf32, #tpu.memory_space<vmem>>, vector<1x16xf32>,
      %parallel_loop3A_432 = vector.shape_cast %parallel_loop3A_431 : vector<1x16xf32> to vector<16xf32>
      %parallel_loop3A_433 = arith.addf %parallel_loop3A_398, %parallel_loop3A_432 : vector<16xf32>
      scf.yield %parallel_loop3A_403, %parallel_loop3A_408, %parallel_loop3A_413, %parallel_loop3A_418, %parallel_loop3A_423, %parallel_loop3A_428, %parallel_loop3A_433 : vector<16xf32>, vector<16xf32>, vector<16xf32>, vector<16xf32>, vector<16xf32>, vector<16xf32>, vector<16xf32>
    } {sc.loop_unroll_factor = 4 : i64, sc.parallel_access}
    %rem3A_218 = arith.constant 127 : i32
    %rem3A_219 = arith.constant 16 : i32
    %rem3A_220 = arith.remsi %rem3A_218, %rem3A_219 : i32
    %mul3A_221 = arith.constant 5.000000e-03 : f32
    %mul3A_222 = vector.broadcast %mul3A_221 : f32 to vector<16xf32>
    %mul3A_223 = arith.mulf %parallel_loop3A_213#0, %mul3A_222 : vector<16xf32>
    %max3A_224 = arith.constant 0.000000e+00 : f32
    %max3A_225 = vector.broadcast %max3A_224 : f32 to vector<16xf32>
    %max3A_226 = arith.maximumf %mul3A_223, %max3A_225 : vector<16xf32>
    %swap3A_227 = arith.index_cast %rem3A_220 : i32 to index
    %swap3A_228 = arith.constant 0 : index
    %swap3A_229 = tpu.vector_load %arg9[%swap3A_227, %swap3A_228] {strides = array<i32>} : memref<16x256xf32, #tpu.memory_space<vmem>>, vector<1x16xf32>,
    %swap3A_230 = vector.shape_cast %swap3A_229 : vector<1x16xf32> to vector<16xf32>
    %swap3A_231 = vector.shape_cast %max3A_226 : vector<16xf32> to vector<1x16xf32>
    tpu.vector_store %arg9[%swap3A_227, %swap3A_228], %swap3A_231 {strides = array<i32>} : memref<16x256xf32, #tpu.memory_space<vmem>>, vector<1x16xf32>,
    %mul3A_232 = arith.constant 5.000000e-03 : f32
    %mul3A_233 = vector.broadcast %mul3A_232 : f32 to vector<16xf32>
    %mul3A_234 = arith.mulf %parallel_loop3A_213#1, %mul3A_233 : vector<16xf32>
    %max3A_235 = arith.constant 0.000000e+00 : f32
    %max3A_236 = vector.broadcast %max3A_235 : f32 to vector<16xf32>
    %max3A_237 = arith.maximumf %mul3A_234, %max3A_236 : vector<16xf32>
    %swap3A_238 = arith.index_cast %rem3A_220 : i32 to index
    %swap3A_239 = arith.constant 16 : index
    %swap3A_240 = tpu.vector_load %arg9[%swap3A_238, %swap3A_239] {strides = array<i32>} : memref<16x256xf32, #tpu.memory_space<vmem>>, vector<1x16xf32>,
    %swap3A_241 = vector.shape_cast %swap3A_240 : vector<1x16xf32> to vector<16xf32>
    %swap3A_242 = vector.shape_cast %max3A_237 : vector<16xf32> to vector<1x16xf32>
    tpu.vector_store %arg9[%swap3A_238, %swap3A_239], %swap3A_242 {strides = array<i32>} : memref<16x256xf32, #tpu.memory_space<vmem>>, vector<1x16xf32>,
    %mul3A_243 = arith.constant 5.000000e-03 : f32
    %mul3A_244 = vector.broadcast %mul3A_243 : f32 to vector<16xf32>
    %mul3A_245 = arith.mulf %parallel_loop3A_213#2, %mul3A_244 : vector<16xf32>
    %max3A_246 = arith.constant 0.000000e+00 : f32
    %max3A_247 = vector.broadcast %max3A_246 : f32 to vector<16xf32>
    %max3A_248 = arith.maximumf %mul3A_245, %max3A_247 : vector<16xf32>
    %swap3A_249 = arith.index_cast %rem3A_220 : i32 to index
    %swap3A_250 = arith.constant 32 : index
    %swap3A_251 = tpu.vector_load %arg9[%swap3A_249, %swap3A_250] {strides = array<i32>} : memref<16x256xf32, #tpu.memory_space<vmem>>, vector<1x16xf32>,
    %swap3A_252 = vector.shape_cast %swap3A_251 : vector<1x16xf32> to vector<16xf32>
    %swap3A_253 = vector.shape_cast %max3A_248 : vector<16xf32> to vector<1x16xf32>
    tpu.vector_store %arg9[%swap3A_249, %swap3A_250], %swap3A_253 {strides = array<i32>} : memref<16x256xf32, #tpu.memory_space<vmem>>, vector<1x16xf32>,
    %mul3A_254 = arith.constant 5.000000e-03 : f32
    %mul3A_255 = vector.broadcast %mul3A_254 : f32 to vector<16xf32>
    %mul3A_256 = arith.mulf %parallel_loop3A_213#3, %mul3A_255 : vector<16xf32>
    %max3A_257 = arith.constant 0.000000e+00 : f32
    %max3A_258 = vector.broadcast %max3A_257 : f32 to vector<16xf32>
    %max3A_259 = arith.maximumf %mul3A_256, %max3A_258 : vector<16xf32>
    %swap3A_260 = arith.index_cast %rem3A_220 : i32 to index
    %swap3A_261 = arith.constant 48 : index
    %swap3A_262 = tpu.vector_load %arg9[%swap3A_260, %swap3A_261] {strides = array<i32>} : memref<16x256xf32, #tpu.memory_space<vmem>>, vector<1x16xf32>,
    %swap3A_263 = vector.shape_cast %swap3A_262 : vector<1x16xf32> to vector<16xf32>
    %swap3A_264 = vector.shape_cast %max3A_259 : vector<16xf32> to vector<1x16xf32>
    tpu.vector_store %arg9[%swap3A_260, %swap3A_261], %swap3A_264 {strides = array<i32>} : memref<16x256xf32, #tpu.memory_space<vmem>>, vector<1x16xf32>,
    %mul3A_265 = arith.constant 5.000000e-03 : f32
    %mul3A_266 = vector.broadcast %mul3A_265 : f32 to vector<16xf32>
    %mul3A_267 = arith.mulf %parallel_loop3A_213#4, %mul3A_266 : vector<16xf32>
    %max3A_268 = arith.constant 0.000000e+00 : f32
    %max3A_269 = vector.broadcast %max3A_268 : f32 to vector<16xf32>
    %max3A_270 = arith.maximumf %mul3A_267, %max3A_269 : vector<16xf32>
    %swap3A_271 = arith.index_cast %rem3A_220 : i32 to index
    %swap3A_272 = arith.constant 64 : index
    %swap3A_273 = tpu.vector_load %arg9[%swap3A_271, %swap3A_272] {strides = array<i32>} : memref<16x256xf32, #tpu.memory_space<vmem>>, vector<1x16xf32>,
    %swap3A_274 = vector.shape_cast %swap3A_273 : vector<1x16xf32> to vector<16xf32>
    %swap3A_275 = vector.shape_cast %max3A_270 : vector<16xf32> to vector<1x16xf32>
    tpu.vector_store %arg9[%swap3A_271, %swap3A_272], %swap3A_275 {strides = array<i32>} : memref<16x256xf32, #tpu.memory_space<vmem>>, vector<1x16xf32>,
    %mul3A_276 = arith.constant 5.000000e-03 : f32
    %mul3A_277 = vector.broadcast %mul3A_276 : f32 to vector<16xf32>
    %mul3A_278 = arith.mulf %parallel_loop3A_213#5, %mul3A_277 : vector<16xf32>
    %max3A_279 = arith.constant 0.000000e+00 : f32
    %max3A_280 = vector.broadcast %max3A_279 : f32 to vector<16xf32>
    %max3A_281 = arith.maximumf %mul3A_278, %max3A_280 : vector<16xf32>
    %swap3A_282 = arith.index_cast %rem3A_220 : i32 to index
    %swap3A_283 = arith.constant 80 : index
    %swap3A_284 = tpu.vector_load %arg9[%swap3A_282, %swap3A_283] {strides = array<i32>} : memref<16x256xf32, #tpu.memory_space<vmem>>, vector<1x16xf32>,
    %swap3A_285 = vector.shape_cast %swap3A_284 : vector<1x16xf32> to vector<16xf32>
    %swap3A_286 = vector.shape_cast %max3A_281 : vector<16xf32> to vector<1x16xf32>
    tpu.vector_store %arg9[%swap3A_282, %swap3A_283], %swap3A_286 {strides = array<i32>} : memref<16x256xf32, #tpu.memory_space<vmem>>, vector<1x16xf32>,
    %mul3A_287 = arith.constant 5.000000e-03 : f32
    %mul3A_288 = vector.broadcast %mul3A_287 : f32 to vector<16xf32>
    %mul3A_289 = arith.mulf %parallel_loop3A_213#6, %mul3A_288 : vector<16xf32>
    %max3A_290 = arith.constant 0.000000e+00 : f32
    %max3A_291 = vector.broadcast %max3A_290 : f32 to vector<16xf32>
    %max3A_292 = arith.maximumf %mul3A_289, %max3A_291 : vector<16xf32>
    %swap3A_293 = arith.index_cast %rem3A_220 : i32 to index
    %swap3A_294 = arith.constant 96 : index
    %swap3A_295 = tpu.vector_load %arg9[%swap3A_293, %swap3A_294] {strides = array<i32>} : memref<16x256xf32, #tpu.memory_space<vmem>>, vector<1x16xf32>,
    %swap3A_296 = vector.shape_cast %swap3A_295 : vector<1x16xf32> to vector<16xf32>
    %swap3A_297 = vector.shape_cast %max3A_292 : vector<16xf32> to vector<1x16xf32>
    tpu.vector_store %arg9[%swap3A_293, %swap3A_294], %swap3A_297 {strides = array<i32>} : memref<16x256xf32, #tpu.memory_space<vmem>>, vector<1x16xf32>,
    %mul3A_298 = arith.constant 5.000000e-02 : f32
    %mul3A_299 = vector.broadcast %mul3A_298 : f32 to vector<16xf32>
    %mul3A_300 = arith.mulf %parallel_loop3A_217#0, %mul3A_299 : vector<16xf32>
    %max3A_301 = arith.constant 0.000000e+00 : f32
    %max3A_302 = vector.broadcast %max3A_301 : f32 to vector<16xf32>
    %max3A_303 = arith.maximumf %mul3A_300, %max3A_302 : vector<16xf32>
    %swap3A_304 = arith.index_cast %rem3A_220 : i32 to index
    %swap3A_305 = arith.constant 112 : index
    %swap3A_306 = tpu.vector_load %arg9[%swap3A_304, %swap3A_305] {strides = array<i32>} : memref<16x256xf32, #tpu.memory_space<vmem>>, vector<1x16xf32>,
    %swap3A_307 = vector.shape_cast %swap3A_306 : vector<1x16xf32> to vector<16xf32>
    %swap3A_308 = vector.shape_cast %max3A_303 : vector<16xf32> to vector<1x16xf32>
    tpu.vector_store %arg9[%swap3A_304, %swap3A_305], %swap3A_308 {strides = array<i32>} : memref<16x256xf32, #tpu.memory_space<vmem>>, vector<1x16xf32>,
    %mul3A_309 = arith.constant 5.000000e-02 : f32
    %mul3A_310 = vector.broadcast %mul3A_309 : f32 to vector<16xf32>
    %mul3A_311 = arith.mulf %parallel_loop3A_217#1, %mul3A_310 : vector<16xf32>
    %max3A_312 = arith.constant 0.000000e+00 : f32
    %max3A_313 = vector.broadcast %max3A_312 : f32 to vector<16xf32>
    %max3A_314 = arith.maximumf %mul3A_311, %max3A_313 : vector<16xf32>
    %swap3A_315 = arith.index_cast %rem3A_220 : i32 to index
    %swap3A_316 = arith.constant 128 : index
    %swap3A_317 = tpu.vector_load %arg9[%swap3A_315, %swap3A_316] {strides = array<i32>} : memref<16x256xf32, #tpu.memory_space<vmem>>, vector<1x16xf32>,
    %swap3A_318 = vector.shape_cast %swap3A_317 : vector<1x16xf32> to vector<16xf32>
    %swap3A_319 = vector.shape_cast %max3A_314 : vector<16xf32> to vector<1x16xf32>
    tpu.vector_store %arg9[%swap3A_315, %swap3A_316], %swap3A_319 {strides = array<i32>} : memref<16x256xf32, #tpu.memory_space<vmem>>, vector<1x16xf32>,
    %mul3A_320 = arith.constant 5.000000e-02 : f32
    %mul3A_321 = vector.broadcast %mul3A_320 : f32 to vector<16xf32>
    %mul3A_322 = arith.mulf %parallel_loop3A_217#2, %mul3A_321 : vector<16xf32>
    %max3A_323 = arith.constant 0.000000e+00 : f32
    %max3A_324 = vector.broadcast %max3A_323 : f32 to vector<16xf32>
    %max3A_325 = arith.maximumf %mul3A_322, %max3A_324 : vector<16xf32>
    %swap3A_326 = arith.index_cast %rem3A_220 : i32 to index
    %swap3A_327 = arith.constant 144 : index
    %swap3A_328 = tpu.vector_load %arg9[%swap3A_326, %swap3A_327] {strides = array<i32>} : memref<16x256xf32, #tpu.memory_space<vmem>>, vector<1x16xf32>,
    %swap3A_329 = vector.shape_cast %swap3A_328 : vector<1x16xf32> to vector<16xf32>
    %swap3A_330 = vector.shape_cast %max3A_325 : vector<16xf32> to vector<1x16xf32>
    tpu.vector_store %arg9[%swap3A_326, %swap3A_327], %swap3A_330 {strides = array<i32>} : memref<16x256xf32, #tpu.memory_space<vmem>>, vector<1x16xf32>,
    %mul3A_331 = arith.constant 5.000000e-02 : f32
    %mul3A_332 = vector.broadcast %mul3A_331 : f32 to vector<16xf32>
    %mul3A_333 = arith.mulf %parallel_loop3A_217#3, %mul3A_332 : vector<16xf32>
    %max3A_334 = arith.constant 0.000000e+00 : f32
    %max3A_335 = vector.broadcast %max3A_334 : f32 to vector<16xf32>
    %max3A_336 = arith.maximumf %mul3A_333, %max3A_335 : vector<16xf32>
    %swap3A_337 = arith.index_cast %rem3A_220 : i32 to index
    %swap3A_338 = arith.constant 160 : index
    %swap3A_339 = tpu.vector_load %arg9[%swap3A_337, %swap3A_338] {strides = array<i32>} : memref<16x256xf32, #tpu.memory_space<vmem>>, vector<1x16xf32>,
    %swap3A_340 = vector.shape_cast %swap3A_339 : vector<1x16xf32> to vector<16xf32>
    %swap3A_341 = vector.shape_cast %max3A_336 : vector<16xf32> to vector<1x16xf32>
    tpu.vector_store %arg9[%swap3A_337, %swap3A_338], %swap3A_341 {strides = array<i32>} : memref<16x256xf32, #tpu.memory_space<vmem>>, vector<1x16xf32>,
    %mul3A_342 = arith.constant 5.000000e-02 : f32
    %mul3A_343 = vector.broadcast %mul3A_342 : f32 to vector<16xf32>
    %mul3A_344 = arith.mulf %parallel_loop3A_217#4, %mul3A_343 : vector<16xf32>
    %max3A_345 = arith.constant 0.000000e+00 : f32
    %max3A_346 = vector.broadcast %max3A_345 : f32 to vector<16xf32>
    %max3A_347 = arith.maximumf %mul3A_344, %max3A_346 : vector<16xf32>
    %swap3A_348 = arith.index_cast %rem3A_220 : i32 to index
    %swap3A_349 = arith.constant 176 : index
    %swap3A_350 = tpu.vector_load %arg9[%swap3A_348, %swap3A_349] {strides = array<i32>} : memref<16x256xf32, #tpu.memory_space<vmem>>, vector<1x16xf32>,
    %swap3A_351 = vector.shape_cast %swap3A_350 : vector<1x16xf32> to vector<16xf32>
    %swap3A_352 = vector.shape_cast %max3A_347 : vector<16xf32> to vector<1x16xf32>
    tpu.vector_store %arg9[%swap3A_348, %swap3A_349], %swap3A_352 {strides = array<i32>} : memref<16x256xf32, #tpu.memory_space<vmem>>, vector<1x16xf32>,
    %mul3A_353 = arith.constant 5.000000e-02 : f32
    %mul3A_354 = vector.broadcast %mul3A_353 : f32 to vector<16xf32>
    %mul3A_355 = arith.mulf %parallel_loop3A_217#5, %mul3A_354 : vector<16xf32>
    %max3A_356 = arith.constant 0.000000e+00 : f32
    %max3A_357 = vector.broadcast %max3A_356 : f32 to vector<16xf32>
    %max3A_358 = arith.maximumf %mul3A_355, %max3A_357 : vector<16xf32>
    %swap3A_359 = arith.index_cast %rem3A_220 : i32 to index
    %swap3A_360 = arith.constant 192 : index
    %swap3A_361 = tpu.vector_load %arg9[%swap3A_359, %swap3A_360] {strides = array<i32>} : memref<16x256xf32, #tpu.memory_space<vmem>>, vector<1x16xf32>,
    %swap3A_362 = vector.shape_cast %swap3A_361 : vector<1x16xf32> to vector<16xf32>
    %swap3A_363 = vector.shape_cast %max3A_358 : vector<16xf32> to vector<1x16xf32>
    tpu.vector_store %arg9[%swap3A_359, %swap3A_360], %swap3A_363 {strides = array<i32>} : memref<16x256xf32, #tpu.memory_space<vmem>>, vector<1x16xf32>,
    %mul3A_364 = arith.constant 5.000000e-02 : f32
    %mul3A_365 = vector.broadcast %mul3A_364 : f32 to vector<16xf32>
    %mul3A_366 = arith.mulf %parallel_loop3A_217#6, %mul3A_365 : vector<16xf32>
    %max3A_367 = arith.constant 0.000000e+00 : f32
    %max3A_368 = vector.broadcast %max3A_367 : f32 to vector<16xf32>
    %max3A_369 = arith.maximumf %mul3A_366, %max3A_368 : vector<16xf32>
    %swap3A_370 = arith.index_cast %rem3A_220 : i32 to index
    %swap3A_371 = arith.constant 208 : index
    %swap3A_372 = tpu.vector_load %arg9[%swap3A_370, %swap3A_371] {strides = array<i32>} : memref<16x256xf32, #tpu.memory_space<vmem>>, vector<1x16xf32>,
    %swap3A_373 = vector.shape_cast %swap3A_372 : vector<1x16xf32> to vector<16xf32>
    %swap3A_374 = vector.shape_cast %max3A_369 : vector<16xf32> to vector<1x16xf32>
    tpu.vector_store %arg9[%swap3A_370, %swap3A_371], %swap3A_374 {strides = array<i32>} : memref<16x256xf32, #tpu.memory_space<vmem>>, vector<1x16xf32>,
    %swap3A_375 = arith.index_cast %rem3A_220 : i32 to index
    %swap3A_376 = arith.constant 224 : index
    %swap3A_377 = tpu.vector_load %arg9[%swap3A_375, %swap3A_376] {strides = array<i32>} : memref<16x256xf32, #tpu.memory_space<vmem>>, vector<1x16xf32>,
    %swap3A_378 = vector.shape_cast %swap3A_377 : vector<1x16xf32> to vector<16xf32>
    %swap3A_379 = vector.shape_cast %broadcast_in_dim3A_5 : vector<16xf32> to vector<1x16xf32>
    tpu.vector_store %arg9[%swap3A_375, %swap3A_376], %swap3A_379 {strides = array<i32>} : memref<16x256xf32, #tpu.memory_space<vmem>>, vector<1x16xf32>,
    %swap3A_380 = arith.index_cast %rem3A_220 : i32 to index
    %swap3A_381 = arith.constant 240 : index
    %swap3A_382 = tpu.vector_load %arg9[%swap3A_380, %swap3A_381] {strides = array<i32>} : memref<16x256xf32, #tpu.memory_space<vmem>>, vector<1x16xf32>,
    %swap3A_383 = vector.shape_cast %swap3A_382 : vector<1x16xf32> to vector<16xf32>
    %swap3A_384 = vector.shape_cast %broadcast_in_dim3A_5 : vector<16xf32> to vector<1x16xf32>
    tpu.vector_store %arg9[%swap3A_380, %swap3A_381], %swap3A_384 {strides = array<i32>} : memref<16x256xf32, #tpu.memory_space<vmem>>, vector<1x16xf32>,
    %eq3A_385 = arith.constant 15 : i32
    %eq3A_386 = arith.cmpi eq, %rem3A_220, %eq3A_385 : i32
    %convert_element_type3A_387 = arith.extui %eq3A_386 : i1 to i32
    %cond3A_388 = arith.constant 127 : i32
    %cond3A_389 = arith.constant 0 : i32
    %cond3A_390 = arith.cmpi ne, %convert_element_type3A_387, %cond3A_389 : i32
    scf.if %cond3A_390 {
      %add3A_391 = arith.addi %mul3A_2, %cond3A_388 : i32
      %sub3A = arith.constant 15 : i32
      %sub3A_392 = arith.subi %add3A_391, %sub3A : i32
      %multiple_of3A = tpu.assume_multiple %sub3A_392, 16 : i32
      "tpu.region"() ({
        %run_scoped3A = tpu.sem_alloc : memref<!tpu.dma_semaphore, #tpu.memory_space<semaphore_mem>>
        %dma_start3A_393 = arith.constant 0 : i32
        %dma_start3A_394 = tpu.memref_slice %arg4[%multiple_of3A, %dma_start3A_393] : memref<4096x256xf32, #tpu.memory_space<hbm>> -> memref<16x256xf32, #tpu.memory_space<hbm>>
        %dma_start3A_395 = arith.constant 0 : i32
        %dma_start3A_396 = tpu.memref_slice %arg4[%multiple_of3A, %dma_start3A_395] : memref<4096x256xf32, #tpu.memory_space<hbm>> -> memref<16x256xf32, #tpu.memory_space<hbm>>
        tpu.enqueue_dma source(%arg9 : memref<16x256xf32, #tpu.memory_space<vmem>>) target(%dma_start3A_396 : memref<16x256xf32, #tpu.memory_space<hbm>>) target_semaphore(%run_scoped3A : memref<!tpu.dma_semaphore, #tpu.memory_space<semaphore_mem>>)
        %dma_wait3A_397 = arith.constant 0 : i32
        %dma_wait3A_398 = tpu.memref_slice %arg4[%multiple_of3A, %dma_wait3A_397] : memref<4096x256xf32, #tpu.memory_space<hbm>> -> memref<16x256xf32, #tpu.memory_space<hbm>>
        %dma_wait3A_399 = arith.constant 0 : i32
        %dma_wait3A_400 = tpu.memref_slice %arg4[%multiple_of3A, %dma_wait3A_399] : memref<4096x256xf32, #tpu.memory_space<hbm>> -> memref<16x256xf32, #tpu.memory_space<hbm>>
        tpu.wait_dma2 semaphore(%run_scoped3A : memref<!tpu.dma_semaphore, #tpu.memory_space<semaphore_mem>>) src(%arg9 : memref<16x256xf32, #tpu.memory_space<vmem>>) dst(%dma_wait3A_400 : memref<16x256xf32, #tpu.memory_space<hbm>>)
        tpu.yield
      }) : () -> ()
    } else {
    }
    return
  }
}

module attributes {stable_mosaic.version = 14 : i64} {
  func.func @_pad_body(%arg0: i32, %arg1: memref<8000x100xf32, #tpu.memory_space<vmem>>, %arg2: memref<8000x128xf32, #tpu.memory_space<vmem>>) attributes {dimension_semantics = [#tpu.dimension_semantics<arbitrary>], iteration_bounds = array<i64: 125>, scalar_prefetch = 0 : i64, scratch_operands = 0 : i64, tpu.core_type = #tpu.core_type<tc>, window_params = [{transform_indices = @transform_0, window_bounds = array<i64: 8000, 100>}, {transform_indices = @transform_1, window_bounds = array<i64: 8000, 128>}]} {
    %get3A = arith.constant 0 : index
    %get3A_0 = arith.constant 0 : index
    %get3A_1 = vector.load %arg1[%get3A, %get3A_0] : memref<8000x100xf32, #tpu.memory_space<vmem>>, vector<8000x100xf32>
    %jit3A = arith.constant 0 : i32
    %convert_element_type3A = arith.sitofp %jit3A : i32 to f32
    %pad3A = vector.broadcast %convert_element_type3A : f32 to vector<8000x28xf32>
    %pad3A_2 = tpu.concatenate %get3A_1, %pad3A in 1 : vector<8000x100xf32>, vector<8000x28xf32> -> vector<8000x128xf32>
    %swap3A = arith.constant 0 : index
    %swap3A_3 = arith.constant 0 : index
    %swap3A_4 = vector.load %arg2[%swap3A, %swap3A_3] : memref<8000x128xf32, #tpu.memory_space<vmem>>, vector<8000x128xf32>
    tpu.vector_store %arg2[%swap3A, %swap3A_3], %pad3A_2 {strides = array<i32>} : memref<8000x128xf32, #tpu.memory_space<vmem>>, vector<8000x128xf32>,
    return
  }
  func.func @transform_0(%arg0: i32) -> (i32, i32) {
    %c0_i32 = arith.constant 0 : i32
    %c0_i32_0 = arith.constant 0 : i32
    return %arg0, %c0_i32 : i32, i32
  }
  func.func @transform_1(%arg0: i32) -> (i32, i32) {
    %c0_i32 = arith.constant 0 : i32
    %c0_i32_0 = arith.constant 0 : i32
    return %arg0, %c0_i32 : i32, i32
  }
}

module attributes {stable_mosaic.version = 14 : i64} {
  func.func @_fc_body(%arg0: memref<4096x256xf32, #tpu.memory_space<vmem>>, %arg1: memref<4x256xf32, #tpu.memory_space<vmem>>, %arg2: memref<1x4xf32, #tpu.memory_space<vmem>>, %arg3: memref<4096x4xf32, #tpu.memory_space<vmem>>) attributes {dimension_semantics = [], scalar_prefetch = 0 : i64, scratch_operands = 0 : i64, tpu.core_type = #tpu.core_type<tc>} {
    %get3A = arith.constant 0 : index
    %get3A_0 = arith.constant 0 : index
    %get3A_1 = vector.load %arg0[%get3A, %get3A_0] : memref<4096x256xf32, #tpu.memory_space<vmem>>, vector<4096x256xf32>
    %get3A_2 = arith.constant 0 : index
    %get3A_3 = arith.constant 0 : index
    %get3A_4 = vector.load %arg1[%get3A_2, %get3A_3] : memref<4x256xf32, #tpu.memory_space<vmem>>, vector<4x256xf32>
    %dot_general3A = arith.constant dense<0.000000e+00> : vector<4096x4xf32>
    %dot_general3A_5 = tpu.matmul %get3A_1, %get3A_4, %dot_general3A {dimension_numbers = #tpu.dot_dimension_numbers<[1], [1], [0], [0], [0, 0, 1, 0], [], []>, transpose_lhs_hint = false} : vector<4096x256xf32>, vector<4x256xf32>, vector<4096x4xf32> -> vector<4096x4xf32>
    %get3A_6 = arith.constant 0 : index
    %get3A_7 = arith.constant 0 : index
    %get3A_8 = vector.load %arg2[%get3A_6, %get3A_7] : memref<1x4xf32, #tpu.memory_space<vmem>>, vector<1x4xf32>
    %add3A = vector.broadcast %get3A_8 : vector<1x4xf32> to vector<4096x4xf32>
    %add3A_9 = arith.addf %dot_general3A_5, %add3A : vector<4096x4xf32>
    %swap3A = arith.constant 0 : index
    %swap3A_10 = arith.constant 0 : index
    %swap3A_11 = vector.load %arg3[%swap3A, %swap3A_10] : memref<4096x4xf32, #tpu.memory_space<vmem>>, vector<4096x4xf32>
    tpu.vector_store %arg3[%swap3A, %swap3A_10], %add3A_9 {strides = array<i32>} : memref<4096x4xf32, #tpu.memory_space<vmem>>, vector<4096x4xf32>,
    return
  }
}

</mosaic_0001>

<sc_bundles>
// kernel: kernel.5.cloned.1.call-start
scs
__scs_entry_jumppad:
0x0: {  	(pc) =	sbr.rel $0x88, $3  }
0x1: {  	(tag) =	ssettag $0x0;
	lr =	simm.s32 $0x1  }
0x2: {  	[smem:$0x3F9C] =	sst lr;
	_ =	strace $0xD0000000  }
0x3: {  	_ = 	snop  }
0x4: {  	_ = 	snop  }
0x5: {  	_ = 	snop  }
0x6: {  	_ = 	snop  }
0x7: {  	_ = 	snop  }
__scs_overlays_trampoline_lowered:
0x8: {  	[smem:$0x3FAB] =	sst s0  }
0x9: {  	[smem:$0x3FAC] =	sst s1  }
0xa: {  	[smem:$0x3FAD] =	sst s2  }
0xb: {  	[smem:$0x3FAE] =	sst s3  }
0xc: {  	[smem:$0x3FAF] =	sst s4  }
0xd: {  	[smem:$0x3FB0] =	sst s5  }
0xe: {  	[smem:$0x3FB1] =	sst s6  }
0xf: {  	[smem:$0x3FB2] =	sst s7  }
0x10: {  	[smem:$0x3FB3] =	sst s8  }
0x11: {  	[smem:$0x3FB4] =	sst s9;
	s0 =	simm.s32 @!p0 $0x0  }
0x12: {  	s1 =	sld [smem:$0x3F9A];
	s0 =	simm.s32 @p0 $0x1  }
0x13: {  	[smem:$0x3FB5] =	sst s0;
	s0 =	simm.s32 @!p1 $0x0  }
0x14: {  	s2 =	sld [smem:$0x3F99];
	s0 =	simm.s32 @p1 $0x1  }
0x15: {  	[smem:$0x3FB6] =	sst s0;
	s0 =	simm.s32 @!p2 $0x0  }
0x16: {  	s3 =	sld [smem:$0x3FDB];
	s0 =	simm.s32 @p2 $0x1  }
0x17: {  	s4 =	simm.s32 $0x1BF5;
	[smem:$0x3FB8] =	sst s0  }
0x18: {  	s0 =	sld [smem:$0x3F9B];
	_ =	swait.ge [sflag:s4], $0x0  }
0x19: {  	s7 =	sld [smem:$0x3F9C]  }
0x1a: {  	s8 =	sadd.s32 $0xFFFFE003, lr  }
0x1b: {  	s9 =	sadd.s32 $0xFFFFFEF7, lr;
	s5 =	simm.s32 $0xFFFFFFFF;
	p2 =	slt.u32 s8, $0xFFFFF086  }
0x1c: {  	p1 =	slt.u32 s9, $0xF7A;
	s5 =	simm.s32 @!p2 $0x0  }
0x1d: {  	s5 =	simm.s32 @p1 $0x1;
	p0 =	seq.s32 s7, s2  }
0x1e: {  	s7 =	smul.u32 @!p0 $0xF7A, s2;
	p2 =	seq.s32 @!p0 s5, $0x0  }
0x1f: {  	s9 =	smul.u32 $0xF7A, s1;
	s8 =	simm.s32 @!p0 $0x1BF5;
	p2 =	por !p2, p0  }
0x20: {  	[sflag:s8] =	ssyncset.s32 @!p0 $0xFFFFF086;
	s6 =	sadd.s32 @!p0 s3, s7;
	s7 =	simm.s32 @!p0 $0x108  }
0x21: {  	s3 =	sadd.s32 s3, s9;
	s6 =	sadd.s32 @!p0 $0x88, s6;
	s7 =	simm.s32 @p2 $0x1082  }
0x22: {  	[simem:s7], [sflag:s8] =	dma.local @!p0 [hbm:s6], $0xF7A  }
0x23: {  	s9 =	sor.u32 $0xD0000000, s2;
	s6 =	simm.s32 $0x108;
	_ =	swait.ge @!p0 [sflag:s8], $0x0  }
0x24: {  	s3 =	sadd.s32 $0x88, s3;
	s6 =	simm.s32 @!p1 $0x1082;
	[sflag:s4] =	ssyncset.s32 $0xFFFFF086  }
0x25: {  	[simem:s6], [sflag:s4] =	dma.local [hbm:s3], $0xF7A  }
0x26: {  	[smem:$0x3F9C] =	sst s1;
	(tag) =	ssettag s2;
	_ =	strace s9  }
0x27: {  	s1 =	sld [smem:$0x3FAC]  }
0x28: {  	s2 =	sld [smem:$0x3FAD]  }
0x29: {  	s4 =	sld [smem:$0x3FAF]  }
0x2a: {  	p0 =	seq.s32 s5, $0x0;
	s5 =	sld [smem:$0x3FB0]  }
0x2b: {  	s6 =	sld [smem:$0x3FB1]  }
0x2c: {  	s7 =	sld [smem:$0x3FB2]  }
0x2d: {  	s3 =	simm.s32 $0x108;
	s8 =	sld [smem:$0x3FB3]  }
0x2e: {  	s3 =	simm.s32 @!p0 $0x1082;
	s9 =	sld [smem:$0x3FB4]  }
0x2f: {  	lr =	sadd.s32 s0, s3;
	s0 =	sld [smem:$0x3FAB]  }
0x30: {  	s3 =	sld [smem:$0x3FAE]  }
0x31: {  	[smem:$0x3FB7] =	sst s10  }
0x32: {  	s10 =	sld [smem:$0x3FB5];
	_ =	sdelay $0x3  }
0x33: {  	p0 =	seq.s32 s10, $0x1;
	s10 =	sld [smem:$0x3FB7];
	_ =	sdelay $0x3  }
0x34: {  	[smem:$0x3FB7] =	sst s10  }
0x35: {  	s10 =	sld [smem:$0x3FB6];
	_ =	sdelay $0x3  }
0x36: {  	p1 =	seq.s32 s10, $0x1;
	s10 =	sld [smem:$0x3FB7];
	_ =	sdelay $0x3  }
0x37: {  	[smem:$0x3FB7] =	sst s10  }
0x38: {  	s10 =	sld [smem:$0x3FB8]  }
0x39: {  	_ = 	snop;
	(pc) =	sbr.ind lr, $3  }
0x3a: {  	_ = 	snop  }
0x3b: {  	_ = 	snop  }
0x3c: {  	p2 =	seq.s32 s10, $0x1;
	s10 =	sld [smem:$0x3FB7]  }
0x3d: {  	_ =	shalt  }
0x3e: {  	_ =	shalt  }
0x3f: {  	_ =	shalt  }
0x40: {  	_ =	shalt  }
0x41: {  	_ =	shalt  }
0x42: {  	_ =	shalt  }
0x43: {  	_ =	shalt  }
0x44: {  	_ =	shalt  }
0x45: {  	_ =	shalt  }
0x46: {  	_ =	shalt  }
0x47: {  	_ =	shalt  }
0x48: {  	_ =	shalt  }
0x49: {  	_ =	shalt  }
0x4a: {  	_ =	shalt  }
0x4b: {  	_ =	shalt  }
0x4c: {  	_ =	shalt  }
0x4d: {  	_ =	shalt  }
0x4e: {  	_ =	shalt  }
0x4f: {  	_ =	shalt  }
0x50: {  	_ =	shalt  }
0x51: {  	_ =	shalt  }
0x52: {  	_ =	shalt  }
0x53: {  	_ =	shalt  }
0x54: {  	_ =	shalt  }
0x55: {  	_ =	shalt  }
0x56: {  	_ =	shalt  }
0x57: {  	_ =	shalt  }
0x58: {  	_ =	shalt  }
0x59: {  	_ =	shalt  }
0x5a: {  	_ =	shalt  }
0x5b: {  	_ =	shalt  }
0x5c: {  	_ =	shalt  }
0x5d: {  	_ =	shalt  }
0x5e: {  	_ =	shalt  }
0x5f: {  	_ =	shalt  }
0x60: {  	_ =	shalt  }
0x61: {  	_ =	shalt  }
0x62: {  	_ =	shalt  }
0x63: {  	_ =	shalt  }
0x64: {  	_ =	shalt  }
0x65: {  	_ =	shalt  }
0x66: {  	_ =	shalt  }
0x67: {  	_ =	shalt  }
0x68: {  	_ =	shalt  }
0x69: {  	_ =	shalt  }
0x6a: {  	_ =	shalt  }
0x6b: {  	_ =	shalt  }
0x6c: {  	_ =	shalt  }
0x6d: {  	_ =	shalt  }
0x6e: {  	_ =	shalt  }
0x6f: {  	_ =	shalt  }
0x70: {  	_ =	shalt  }
0x71: {  	_ =	shalt  }
0x72: {  	_ =	shalt  }
0x73: {  	_ =	shalt  }
0x74: {  	_ =	shalt  }
0x75: {  	_ =	shalt  }
0x76: {  	_ =	shalt  }
0x77: {  	_ =	shalt  }
0x78: {  	_ =	shalt  }
0x79: {  	_ =	shalt  }
0x7a: {  	_ =	shalt  }
0x7b: {  	_ =	shalt  }
0x7c: {  	_ =	shalt  }
0x7d: {  	_ =	shalt  }
0x7e: {  	_ =	shalt  }
0x7f: {  	_ =	shalt  }
0x80: {  	_ =	shalt  }
0x81: {  	_ =	shalt  }
0x82: {  	_ =	shalt  }
0x83: {  	_ =	shalt  }
0x84: {  	_ =	shalt  }
0x85: {  	_ =	shalt  }
0x86: {  	_ =	shalt  }
0x87: {  	_ =	shalt  }
.Lfunc_end0:
.L_simem_size_0:
called_computation_lowered:
.L_overlay_start_0:
0x88: {  	s2 =	sld [smem:$0x3FD9]  }
0x89: {  	s3 =	sld [smem:$0x3FFE];
	_ =	sdelay $0x1  }
0x8a: {  	s1 =	srdreg.scid  }
0x8b: {  	s0 =	sand.u32 $0x1, s1  }
0x8c: {  	s16 =	sshll.u32 s0, $0xA;
	s2 =	sadd.s32 s3, s2  }
0x8d: {  	s2 =	sadd.s32 s2, s16  }
0x8e: {  	[smem:$0x3FC3] =	sst s2  }
0x8f: {  	_ = 	snop  }
0x90: {  	(tm) =	ssettm $0x1  }
0x91: {  	s17 =	sld [smem:$0x3FFB];
	_ =	sdelay $0x3  }
0x92: {  	_ =	strace s17  }
0x93: {  	s2 =	sld [smem:$0x3FFC];
	_ =	sdelay $0x3  }
0x94: {  	_ =	strace s2  }
0x95: {  	s2 =	sld [smem:$0x3FFD];
	_ =	sdelay $0x3  }
0x96: {  	_ =	strace s2  }
0x97: {  	_ =	strace $0x8FFFFFFF  }
0x98: {  	s18 =	sld [smem:$0x3FDB];
	_ =	sdelay $0x1  }
0x99: {  	s19 =	simm.s32 $_scs_section_size  }
0x9a: {  	s4 =	simm.s32 $_size__tile_overlayer_lowered;
	s5 =	simm.s32 $_tile_overlayer_lowered  }
0x9b: {  	s22 =	simm.s32 $0x1BFF;
	s21 =	sshll.u32 s5, $0x1;
	s2 =	sadd.s32 s19, s18  }
0x9c: {  	s6 =	simm.s32 $0x0;
	s20 =	sshll.u32 s4, $0x1;
	s4 =	sadd.s32 s21, s2  }
0x9d: {  	[timem:s6], [sflag:s22] =	dma.local [hbm:s4], s20  }
0x9e: {  	_ =	swait.ge [sflag:s22], s20  }
0x9f: {  	s3 =	ssub.s32 $0x0, s20;
	[sflag:s22] =	ssyncset.done $0x0  }
0xa0: {  	[sflag:s22] =	ssyncadd.s32 s3;
	_ =	sdelay $0x1  }
0xa1: {  	s23 =	simm.s32 $0x1B8B  }
0xa2: {  	_ =	swait.ge [sflag:s23], $0x1  }
0xa3: {  	[sflag:s23] =	ssyncset.done $0x0  }
0xa4: {  	s25 =	simm.s32 $0x1B8E;
	s24 =	sld [smem:$0x3FFE];
	[sflag:s23] =	ssyncadd.s32 $0xFFFFFFFF  }
0xa5: {  	s26 =	simm.s32 $execute0_lowered;
	[smem:$0x3FD2] =	sst s25  }
0xa6: {  	s4 =	sshll.u32 s26, $0x1;
	_ =	strace $0x80000046;
	[dreg:$0x1] =	wrdreg $0xFFFFFFFF  }
0xa7: {  	s28 =	simm.s32 $_size_execute0_lowered;
	s2 =	sadd.s32 s2, s4;
	[dreg:$0x0] =	wrdreg $0x0  }
0xa8: {  	s4 =	sshll.u32 s28, $0x1;
	[dreg:$0x2] =	wrdreg s2  }
0xa9: {  	[dreg:$0x3] =	wrdreg s4  }
0xaa: {  	[dreg:$0x4] =	wrdreg $0xC0  }
0xab: {  	_ =	task [dreg:s6], $0x5FFFF  }
0xac: {  	[dreg:$0x1] =	wrdreg $0xFFFFFFFF  }
0xad: {  	[dreg:$0x0] =	wrdreg $0x60  }
0xae: {  	[dreg:$0x2] =	wrdreg s24  }
0xaf: {  	[dreg:$0x3] =	wrdreg $0x9  }
0xb0: {  	_ =	task.clear_ibuf [dreg:s6], $0x4FFFF;
	_ =	strace $0x90000046  }
0xb1: {  	s29 =	simm.s32 $0x9;
	_ =	strace $0x80000048  }
0xb2: {  	_ =	swait.ge [sflag:s29], $0x1  }
0xb3: {  	[sflag:s29] =	ssyncadd.s32 $0xFFFFFFFF  }
0xb4: {  	_ =	strace $0x90000048  }
0xb5: {  	_ =	sfence  }
0xb6: {  	s30 =	sld [smem:$0x0];
	_ =	sdelay $0x2  }
0xb7: {  	s31 =	sshll.u32 s1, $0xD;
	s1 =	sshrl.u32 s1, $0x2  }
0xb8: {  	s3 =	sand.u32 $0x4000, s31;
	s1 =	sadd.s32 s1, s30  }
0xb9: {  	s0 =	sor.u32 s3, s0;
	s1 =	sshll.u32 s1, $0x11  }
0xba: {  	s0 =	sor.u32 s1, s0  }
0xbb: {  	s0 =	sadd.s32 $0x8F2B, s0  }
0xbc: {  	[sflag:s0] =	ssyncadd.remote.s32 $0x1  }
0xbd: {  	_ =	sfence.sel $0xFFFF  }
0xbe: {  	[dreg:$0x0] =	wrdreg $0xFFFFFFFF;
	(pc) =	sbr.abs _section_cstart, $3  }
0xbf: {  	[dreg:$0x1] =	wrdreg $0xFFFFFFFF  }
0xc0: {  	_ =	task.clear_ibuf [dreg:s6], $0x2FFFF;
	_ =	strace $0x9FFFFFFF  }
0xc1: {  	(tm) =	ssettm $0x7FFFFFFF  }
tec
execute0_lowered:
.L_overlay_start_1:
0x0: {  	(tag) =	ssettag $0x1  }
0x1: {  	s1 =	srdreg.scid;
	s0 =	stileid.u32  }
0x2: {  	s6 =	rddreg [dreg:$0x0];
	s2 =	simm.s32 $0x0;
	s10 =	simm.s32 $0xE0  }
0x3: {  	s11 =	simm.s32 $0x8000;
	s12 =	simm.s32 $0x100;
	s13 =	simm.s32 $0xF000  }
0x4: {  	s14 =	simm.s32 $0x1;
	s15 =	simm.s32 $0x16000;
	s16 =	simm.s32 $0x2  }
0x5: {  	s17 =	simm.s32 $0x3;
	s18 =	simm.s32 $0x1D000;
	s19 =	simm.s32 $0x0  }
0x6: {  	s3 =	sand.u32 $0x1, s1;
	s4 =	sshll.u32 s0, $0x1;
	[smem:$0x7FF] =	sst s2  }
0x7: {  	s1 =	rddreg [dreg:$0x1];
	s4 =	sor.u32 s3, s4;
	_ =	strace $0x80000047  }
0x8: {  	s7 =	ssub.s32 $0x2, s3;
	s3 =	sadd.s32 $0xF42A00, s6;
	s5 =	sshll.u32 s4, $0xC  }
0x9: {  	s31 =	sshrl.u32 s7, $0x1;
	s4 =	sshll.u32 s4, $0x7;
	s8 =	sadd.s32 s5, s6  }
0xa: {  	s9 =	ssub.s32 s7, s31;
	s6 =	sadd.s32 $0x20420, s6;
	s5 =	sadd.s32 $0x600, s8  }
0xb: {  	v0 =	vimm.f32 $0.0e+00;
	s7 =	sadd.s32 $0x21400, s8;
	s8 =	smax.u32 s9, $0x1;
	s9 =	simm.s32 $0x4  }
.LBB2_1:
0xc: {  	[tilespmem:s2], [sflag:$0x4] =	stream.linear.gather [hbm4b:s5+s2], $0x8000, $0x38;
	[tilespmem:$0x1E000] =	vst v63  }
0xd: {  	_ =	swait.ge [sflag:s9], $0x8000  }
0xe: {  	[sflag:s9] =	ssyncset.done $0x0  }
0xf: {  	[sflag:s9] =	ssyncadd.s32 $0xFFFF8000  }
0x10: {  	[tilespmem:s11], [sflag:$0x1] =	stream.indirect.gather [hbm4b:s3+s10], $0x80, s2, s10, $0xb8;
	[tilespmem:$0x1E000] =	vst v63  }
0x11: {  	s20 =	simm.s32 $0x0  }
0x12: {  	[tilespmem:s13], [sflag:$0x2] =	stream.indirect.gather [hbm4b:s3+s10], $0x80, s12, s10, $0xb8;
	[tilespmem:$0x1E000] =	vst v63  }
.LBB2_2:
0x13: {  	s23 =	smul.u32 $0x3, s20;
	_ =	sdelay $0x1  }
0x14: {  	_ =	swait.ge [sflag:s14], $0x7000;
	s21 =	sadd.s32 $0x2, s23  }
0x15: {  	[sflag:s14] =	ssyncset.done $0x0;
	s22 =	sshll.u32 s21, $0x8  }
0x16: {  	[sflag:s14] =	ssyncadd.s32 $0xFFFF9000;
	s24 =	sand.u32 $0x3FFFFF00, s22  }
0x17: {  	[tilespmem:s15], [sflag:$0x3] =	stream.indirect.gather [hbm4b:s3+s10], $0x80, s24, s10, $0xb8;
	[tilespmem:$0x1E000] =	vst v63  }
0x18: {  	s24 =	simm.s32 $0x0  }
0x19: {  	v2 =	vld [tilespmem:s24+$0x8060]  }
0x1a: {  	v4 =	vld [tilespmem:s24+$0x8000]  }
0x1b: {  	v3 =	vld [tilespmem:s24+$0x8010]  }
0x1c: {  	v6 =	vld [tilespmem:s24+$0x8020]  }
0x1d: {  	v1 =	vimm.f32 $0.0e+00;
	v8 =	vimm.f32 $0.0e+00;
	v5 =	vld [tilespmem:s24+$0x8030]  }
0x1e: {  	v9 =	vimm.f32 $0.0e+00;
	v11 =	vimm.f32 $0.0e+00;
	v12 =	vimm.f32 $0.0e+00;
	v7 =	vld [tilespmem:s24+$0x8040]  }
0x1f: {  	s25 =	simm.s32 $0x80;
	s26 =	simm.s32 $0x400;
	v10 =	vimm.f32 $0.0e+00;
	v13 =	vld [tilespmem:s24+$0x8050];
	v2 =	vadd.f32 v2, v1;
	v4 =	vadd.f32 v4, v1  }
.LBB2_3:
0x20: {  	p0 =	sne.s32 s26, $0x18E00;
	v14 =	vld [tilespmem:s25+$0x8060];
	v8 =	vadd.f32 v3, v8  }
0x21: {  	v15 =	vld [tilespmem:s25+$0x8000];
	v9 =	vadd.f32 v6, v9  }
.Ltmp0:
0x22: {  	v3 =	vld [tilespmem:s25+$0x8010];
	v11 =	vadd.f32 v5, v11;
	(pc) =	sbr.rel @p0 .LBB2_3-.Ltmp0, $4  }
0x23: {  	v6 =	vld [tilespmem:s25+$0x8020];
	v12 =	vadd.f32 v7, v12  }
0x24: {  	v5 =	vld [tilespmem:s25+$0x8030];
	v10 =	vadd.f32 v13, v10  }
0x25: {  	v7 =	vld [tilespmem:s25+$0x8040];
	v2 =	vadd.f32 v14, v2  }
0x26: {  	v4 =	vadd.f32 v15, v4;
	v13 =	vld [tilespmem:s25+$0x8050];
	s25 =	sshra.s32 s26, $0x2;
	s26 =	sadd.s32 $0x200, s26  }
0x27: {  	v14 =	vld [tilespmem:s25+$0x8060]  }
0x28: {  	v15 =	vld [tilespmem:s25+$0x8000]  }
0x29: {  	v16 =	vld [tilespmem:s25+$0x8010]  }
0x2a: {  	v17 =	vld [tilespmem:s25+$0x8020]  }
0x2b: {  	v18 =	vld [tilespmem:s25+$0x8030]  }
0x2c: {  	v19 =	vld [tilespmem:s25+$0x8040]  }
0x2d: {  	v20 =	vld [tilespmem:s25+$0x8050];
	v8 =	vadd.f32 v3, v8  }
0x2e: {  	v21 =	vld [tilespmem:s24+$0xE460];
	v6 =	vadd.f32 v6, v9;
	v5 =	vadd.f32 v5, v11  }
0x2f: {  	v7 =	vadd.f32 v7, v12;
	v12 =	vld [tilespmem:s24+$0xE400];
	v11 =	vadd.f32 v13, v10  }
0x30: {  	v3 =	vadd.f32 v14, v2;
	v10 =	vadd.f32 v15, v4;
	v15 =	vld [tilespmem:s24+$0xE410]  }
0x31: {  	v9 =	vadd.f32 v16, v8;
	v8 =	vadd.f32 v17, v6;
	v17 =	vld [tilespmem:s24+$0xE420]  }
0x32: {  	v13 =	vimm.f32 $0.0e+00;
	v6 =	vadd.f32 v18, v5;
	v5 =	vadd.f32 v19, v7;
	v16 =	vld [tilespmem:s24+$0xE430]  }
0x33: {  	v2 =	vadd.f32 v21, v1;
	v19 =	vimm.f32 $0.0e+00;
	v4 =	vadd.f32 v20, v11;
	v11 =	vld [tilespmem:s24+$0xE440]  }
0x34: {  	s25 =	simm.s32 $0x80;
	s26 =	simm.s32 $0x400;
	v14 =	vld [tilespmem:s24+$0xE450];
	v18 =	vimm.f32 $0.0e+00;
	v7 =	vadd.f32 v12, v1;
	v12 =	vimm.f32 $0.0e+00  }
.LBB2_5:
0x35: {  	p0 =	sne.s32 s26, $0x2600;
	v20 =	vld [tilespmem:s25+$0xE460];
	v1 =	vadd.f32 v15, v1  }
0x36: {  	v21 =	vld [tilespmem:s25+$0xE400];
	v19 =	vadd.f32 v17, v19  }
.Ltmp1:
0x37: {  	v15 =	vld [tilespmem:s25+$0xE410];
	v18 =	vadd.f32 v16, v18;
	(pc) =	sbr.rel @p0 .LBB2_5-.Ltmp1, $4  }
0x38: {  	v17 =	vld [tilespmem:s25+$0xE420];
	v13 =	vadd.f32 v11, v13  }
0x39: {  	v16 =	vld [tilespmem:s25+$0xE430];
	v12 =	vadd.f32 v14, v12  }
0x3a: {  	v11 =	vld [tilespmem:s25+$0xE440];
	v2 =	vadd.f32 v20, v2  }
0x3b: {  	v7 =	vadd.f32 v21, v7;
	v14 =	vld [tilespmem:s25+$0xE450];
	s25 =	sshra.s32 s26, $0x2;
	s26 =	sadd.s32 $0x200, s26  }
0x3c: {  	v20 =	vld [tilespmem:s25+$0xE460]  }
0x3d: {  	v21 =	vld [tilespmem:s25+$0xE400];
	s24 =	smul.u32 $0x300, s20  }
0x3e: {  	v22 =	vld [tilespmem:s25+$0xE410];
	s26 =	smul.u32 $0x180, s20  }
0x3f: {  	v23 =	vld [tilespmem:s25+$0xE420];
	v10 =	vmul.f32 $4.999999890e-03, v10  }
0x40: {  	v24 =	vld [tilespmem:s25+$0xE430];
	v9 =	vmul.f32 $4.999999890e-03, v9;
	s24 =	sand.u32 $0x800, s24;
	s26 =	sand.u32 $0x380, s26  }
0x41: {  	v62 =	vld [tilespmem:s25+$0xE440];
	v8 =	vmul.f32 $4.999999890e-03, v8;
	v10 =	vmax.f32 v10, $0.0e+00;
	s24 =	sor.u32 s26, s24  }
0x42: {  	v63 =	vld [tilespmem:s25+$0xE450];
	v6 =	vmul.f32 $4.999999890e-03, v6;
	v9 =	vmax.f32 v9, $0.0e+00;
	[tilespmem:s24+$0x1D000] =	vst v10  }
0x43: {  	v5 =	vmul.f32 $4.999999890e-03, v5;
	v8 =	vmax.f32 v8, $0.0e+00;
	[tilespmem:s24+$0x1D010] =	vst v9  }
0x44: {  	v4 =	vmul.f32 $4.999999890e-03, v4;
	v6 =	vmax.f32 v6, $0.0e+00;
	[tilespmem:s24+$0x1D020] =	vst v8  }
0x45: {  	v1 =	vadd.f32 v15, v1;
	v3 =	vmul.f32 $4.999999890e-03, v3;
	v5 =	vmax.f32 v5, $0.0e+00;
	[tilespmem:s24+$0x1D030] =	vst v6  }
0x46: {  	v15 =	vadd.f32 v17, v19;
	v4 =	vmax.f32 v4, $0.0e+00;
	[tilespmem:s24+$0x1D040] =	vst v5;
	v7 =	vadd.f32 v21, v7  }
0x47: {  	v16 =	vadd.f32 v16, v18;
	v3 =	vmax.f32 v3, $0.0e+00;
	[tilespmem:s24+$0x1D050] =	vst v4;
	v1 =	vadd.f32 v22, v1  }
0x48: {  	v11 =	vadd.f32 v11, v13;
	[tilespmem:s24+$0x1D060] =	vst v3;
	v6 =	vadd.f32 v23, v15;
	v5 =	vmul.f32 $5.000000070e-02, v7  }
0x49: {  	v10 =	vadd.f32 v14, v12;
	[tilespmem:s24+$0x1D460] =	vst v0;
	v7 =	vadd.f32 v24, v16;
	v1 =	vmul.f32 $5.000000070e-02, v1  }
0x4a: {  	[tilespmem:s24+$0x1D470] =	vst v0;
	v4 =	vadd.f32 v62, v11;
	v3 =	vmax.f32 v5, $0.0e+00;
	v5 =	vmul.f32 $5.000000070e-02, v6  }
0x4b: {  	v6 =	vadd.f32 v63, v10;
	v1 =	vmax.f32 v1, $0.0e+00;
	[tilespmem:s24+$0x1D070] =	vst v3;
	v3 =	vmul.f32 $5.000000070e-02, v7  }
0x4c: {  	v2 =	vadd.f32 v20, v2;
	v4 =	vmul.f32 $5.000000070e-02, v4;
	[tilespmem:s24+$0x1D400] =	vst v1;
	v1 =	vmax.f32 v5, $0.0e+00  }
0x4d: {  	s29 =	sand.u32 $0xF, s23;
	[tilespmem:s24+$0x1D410] =	vst v1;
	v1 =	vmax.f32 v3, $0.0e+00;
	v3 =	vmul.f32 $5.000000070e-02, v6  }
0x4e: {  	p0 =	sne.s32 s29, $0xF;
	v2 =	vmul.f32 $5.000000070e-02, v2;
	[tilespmem:s24+$0x1D420] =	vst v1;
	v1 =	vmax.f32 v4, $0.0e+00  }
0x4f: {  	s25 =	sadd.s32 @!p0 s4, s23;
	[tilespmem:s24+$0x1D430] =	vst v1;
	v1 =	vmax.f32 v3, $0.0e+00  }
0x50: {  	s25 =	sshll.u32 @!p0 s25, $0x5;
	[tilespmem:s24+$0x1D440] =	vst v1;
	v1 =	vmax.f32 v2, $0.0e+00  }
0x51: {  	s26 =	simm.s32 @!p0 $0x1D000;
	[tilespmem:s24+$0x1D450] =	vst v1;
	s24 =	sadd.s32 @!p0 s25, s6;
	s25 =	simm.s32 @!p0 $0x0  }
0x52: {  	[hbm4b:s24+s25] =	stream.linear.scatter @!p0 [tilespmem:s26], [sflag:$0x5], $0x1000, $0x38;
	[tilespmem:$0x1E000] =	vst v63  }
0x53: {  	s24 =	simm.s32 @!p0 $0x5  }
0x54: {  	_ =	swait.ge @!p0 [sflag:s24], $0x1000  }
0x55: {  	[sflag:s24] =	ssyncset.done @!p0 $0x0  }
0x56: {  	s30 =	smul.u32 $0xC00, s20;
	[sflag:s24] =	ssyncadd.s32 @!p0 $0xFFFFF000  }
0x57: {  	_ =	swait.ge [sflag:s16], $0x7000  }
0x58: {  	s24 =	sshra.s32 s30, $0x2;
	[sflag:s16] =	ssyncset.done $0x0  }
0x59: {  	s25 =	simm.s32 $0x0;
	s31 =	sadd.s32 $0x300, s24;
	[sflag:s16] =	ssyncadd.s32 $0xFFFF9000  }
0x5a: {  	[tilespmem:s11], [sflag:$0x1] =	stream.indirect.gather [hbm4b:s3+s10], $0x80, s31, s10, $0xb8;
	[tilespmem:$0x1E000] =	vst v63  }
0x5b: {  	v2 =	vld [tilespmem:s25+$0xF060]  }
0x5c: {  	v4 =	vld [tilespmem:s25+$0xF000]  }
0x5d: {  	v3 =	vld [tilespmem:s25+$0xF010]  }
0x5e: {  	v6 =	vld [tilespmem:s25+$0xF020]  }
0x5f: {  	v8 =	vimm.f32 $0.0e+00;
	v9 =	vimm.f32 $0.0e+00;
	v5 =	vld [tilespmem:s25+$0xF030]  }
0x60: {  	v12 =	vimm.f32 $0.0e+00;
	v11 =	vimm.f32 $0.0e+00;
	v1 =	vimm.f32 $0.0e+00;
	v7 =	vld [tilespmem:s25+$0xF040]  }
0x61: {  	s28 =	simm.s32 $0x400;
	v10 =	vimm.f32 $0.0e+00;
	s26 =	simm.s32 $0x80;
	v13 =	vld [tilespmem:s25+$0xF050];
	v2 =	vadd.f32 v2, v1;
	v4 =	vadd.f32 v4, v1  }
.LBB2_7:
0x62: {  	p0 =	sne.s32 s28, $0x18E00;
	v14 =	vld [tilespmem:s26+$0xF060];
	v8 =	vadd.f32 v3, v8  }
0x63: {  	v15 =	vld [tilespmem:s26+$0xF000];
	v9 =	vadd.f32 v6, v9  }
.Ltmp2:
0x64: {  	v3 =	vld [tilespmem:s26+$0xF010];
	v11 =	vadd.f32 v5, v11;
	(pc) =	sbr.rel @p0 .LBB2_7-.Ltmp2, $4  }
0x65: {  	v6 =	vld [tilespmem:s26+$0xF020];
	v12 =	vadd.f32 v7, v12  }
0x66: {  	v5 =	vld [tilespmem:s26+$0xF030];
	v10 =	vadd.f32 v13, v10  }
0x67: {  	v7 =	vld [tilespmem:s26+$0xF040];
	v2 =	vadd.f32 v14, v2  }
0x68: {  	v4 =	vadd.f32 v15, v4;
	v13 =	vld [tilespmem:s26+$0xF050];
	s26 =	sshra.s32 s28, $0x2;
	s28 =	sadd.s32 $0x200, s28  }
0x69: {  	v14 =	vld [tilespmem:s26+$0xF060]  }
0x6a: {  	v15 =	vld [tilespmem:s26+$0xF000]  }
0x6b: {  	v16 =	vld [tilespmem:s26+$0xF010]  }
0x6c: {  	v17 =	vld [tilespmem:s26+$0xF020]  }
0x6d: {  	v18 =	vld [tilespmem:s26+$0xF030]  }
0x6e: {  	v19 =	vld [tilespmem:s26+$0xF040]  }
0x6f: {  	v20 =	vld [tilespmem:s26+$0xF050];
	v8 =	vadd.f32 v3, v8  }
0x70: {  	v21 =	vld [tilespmem:s25+$0x15460];
	v6 =	vadd.f32 v6, v9;
	v5 =	vadd.f32 v5, v11  }
0x71: {  	v7 =	vadd.f32 v7, v12;
	v12 =	vld [tilespmem:s25+$0x15400];
	v11 =	vadd.f32 v13, v10  }
0x72: {  	v3 =	vadd.f32 v14, v2;
	v10 =	vadd.f32 v15, v4;
	v15 =	vld [tilespmem:s25+$0x15410]  }
0x73: {  	v9 =	vadd.f32 v16, v8;
	v8 =	vadd.f32 v17, v6;
	v17 =	vld [tilespmem:s25+$0x15420]  }
0x74: {  	v13 =	vimm.f32 $0.0e+00;
	v6 =	vadd.f32 v18, v5;
	v5 =	vadd.f32 v19, v7;
	v16 =	vld [tilespmem:s25+$0x15430]  }
0x75: {  	v2 =	vadd.f32 v21, v1;
	v19 =	vimm.f32 $0.0e+00;
	v4 =	vadd.f32 v20, v11;
	v11 =	vld [tilespmem:s25+$0x15440]  }
0x76: {  	s26 =	simm.s32 $0x80;
	s28 =	simm.s32 $0x400;
	v14 =	vld [tilespmem:s25+$0x15450];
	v18 =	vimm.f32 $0.0e+00;
	v7 =	vadd.f32 v12, v1;
	v12 =	vimm.f32 $0.0e+00  }
.LBB2_9:
0x77: {  	p0 =	sne.s32 s28, $0x2600;
	v20 =	vld [tilespmem:s26+$0x15460];
	v1 =	vadd.f32 v15, v1  }
0x78: {  	v21 =	vld [tilespmem:s26+$0x15400];
	v19 =	vadd.f32 v17, v19  }
.Ltmp3:
0x79: {  	v15 =	vld [tilespmem:s26+$0x15410];
	v18 =	vadd.f32 v16, v18;
	(pc) =	sbr.rel @p0 .LBB2_9-.Ltmp3, $4  }
0x7a: {  	v17 =	vld [tilespmem:s26+$0x15420];
	v13 =	vadd.f32 v11, v13  }
0x7b: {  	v16 =	vld [tilespmem:s26+$0x15430];
	v12 =	vadd.f32 v14, v12  }
0x7c: {  	v11 =	vld [tilespmem:s26+$0x15440];
	v2 =	vadd.f32 v20, v2  }
0x7d: {  	v7 =	vadd.f32 v21, v7;
	v14 =	vld [tilespmem:s26+$0x15450];
	s26 =	sshra.s32 s28, $0x2;
	s28 =	sadd.s32 $0x200, s28  }
0x7e: {  	v20 =	vld [tilespmem:s26+$0x15460]  }
0x7f: {  	v21 =	vld [tilespmem:s26+$0x15400]  }
0x80: {  	v22 =	vld [tilespmem:s26+$0x15410];
	s23 =	sadd.s32 $0x1, s23  }
0x81: {  	v23 =	vld [tilespmem:s26+$0x15420];
	v10 =	vmul.f32 $4.999999890e-03, v10;
	s25 =	sshll.u32 s23, $0x8;
	s28 =	sshll.u32 s23, $0x7  }
0x82: {  	v24 =	vld [tilespmem:s26+$0x15430];
	v9 =	vmul.f32 $4.999999890e-03, v9;
	s25 =	sand.u32 $0x800, s25;
	s28 =	sand.u32 $0x380, s28  }
0x83: {  	v62 =	vld [tilespmem:s26+$0x15440];
	v8 =	vmul.f32 $4.999999890e-03, v8;
	v10 =	vmax.f32 v10, $0.0e+00;
	s25 =	sor.u32 s28, s25  }
0x84: {  	v63 =	vld [tilespmem:s26+$0x15450];
	v6 =	vmul.f32 $4.999999890e-03, v6;
	v9 =	vmax.f32 v9, $0.0e+00;
	[tilespmem:s25+$0x1D000] =	vst v10  }
0x85: {  	v5 =	vmul.f32 $4.999999890e-03, v5;
	v8 =	vmax.f32 v8, $0.0e+00;
	[tilespmem:s25+$0x1D010] =	vst v9  }
0x86: {  	v4 =	vmul.f32 $4.999999890e-03, v4;
	v6 =	vmax.f32 v6, $0.0e+00;
	[tilespmem:s25+$0x1D020] =	vst v8  }
0x87: {  	v1 =	vadd.f32 v15, v1;
	v3 =	vmul.f32 $4.999999890e-03, v3;
	v5 =	vmax.f32 v5, $0.0e+00;
	[tilespmem:s25+$0x1D030] =	vst v6  }
0x88: {  	v15 =	vadd.f32 v17, v19;
	v4 =	vmax.f32 v4, $0.0e+00;
	[tilespmem:s25+$0x1D040] =	vst v5;
	v7 =	vadd.f32 v21, v7  }
0x89: {  	v16 =	vadd.f32 v16, v18;
	v3 =	vmax.f32 v3, $0.0e+00;
	[tilespmem:s25+$0x1D050] =	vst v4;
	v1 =	vadd.f32 v22, v1  }
0x8a: {  	v11 =	vadd.f32 v11, v13;
	[tilespmem:s25+$0x1D060] =	vst v3;
	v6 =	vadd.f32 v23, v15;
	v5 =	vmul.f32 $5.000000070e-02, v7  }
0x8b: {  	v10 =	vadd.f32 v14, v12;
	[tilespmem:s25+$0x1D460] =	vst v0;
	v7 =	vadd.f32 v24, v16;
	v1 =	vmul.f32 $5.000000070e-02, v1  }
0x8c: {  	[tilespmem:s25+$0x1D470] =	vst v0;
	v4 =	vadd.f32 v62, v11;
	v3 =	vmax.f32 v5, $0.0e+00;
	v5 =	vmul.f32 $5.000000070e-02, v6  }
0x8d: {  	v6 =	vadd.f32 v63, v10;
	v1 =	vmax.f32 v1, $0.0e+00;
	[tilespmem:s25+$0x1D070] =	vst v3;
	v3 =	vmul.f32 $5.000000070e-02, v7  }
0x8e: {  	v2 =	vadd.f32 v20, v2;
	v4 =	vmul.f32 $5.000000070e-02, v4;
	[tilespmem:s25+$0x1D400] =	vst v1;
	v1 =	vmax.f32 v5, $0.0e+00  }
0x8f: {  	s30 =	sand.u32 $0xF, s23;
	[tilespmem:s25+$0x1D410] =	vst v1;
	v1 =	vmax.f32 v3, $0.0e+00;
	v3 =	vmul.f32 $5.000000070e-02, v6  }
0x90: {  	p0 =	sne.s32 s30, $0xF;
	v2 =	vmul.f32 $5.000000070e-02, v2;
	[tilespmem:s25+$0x1D420] =	vst v1;
	v1 =	vmax.f32 v4, $0.0e+00  }
0x91: {  	s23 =	sadd.s32 @!p0 s4, s23;
	[tilespmem:s25+$0x1D430] =	vst v1;
	v1 =	vmax.f32 v3, $0.0e+00  }
0x92: {  	s23 =	sshll.u32 @!p0 s23, $0x5;
	[tilespmem:s25+$0x1D440] =	vst v1;
	v1 =	vmax.f32 v2, $0.0e+00  }
0x93: {  	s26 =	simm.s32 @!p0 $0x1D000;
	s23 =	sadd.s32 @!p0 s23, s6;
	[tilespmem:s25+$0x1D450] =	vst v1;
	s25 =	simm.s32 @!p0 $0x0  }
0x94: {  	[hbm4b:s23+s25] =	stream.linear.scatter @!p0 [tilespmem:s26], [sflag:$0x5], $0x1000, $0x38;
	[tilespmem:$0x1E000] =	vst v63  }
0x95: {  	s23 =	simm.s32 @!p0 $0x5  }
0x96: {  	_ =	swait.ge @!p0 [sflag:s23], $0x1000  }
0x97: {  	[sflag:s23] =	ssyncset.done @!p0 $0x0  }
0x98: {  	[sflag:s23] =	ssyncadd.s32 @!p0 $0xFFFFF000  }
0x99: {  	_ =	swait.ge [sflag:s17], $0x7000  }
0x9a: {  	[sflag:s17] =	ssyncset.done $0x0  }
0x9b: {  	s31 =	sadd.s32 $0x400, s24;
	s23 =	simm.s32 $0x0;
	[sflag:s17] =	ssyncadd.s32 $0xFFFF9000  }
0x9c: {  	[tilespmem:s13], [sflag:$0x2] =	stream.indirect.gather [hbm4b:s3+s10], $0x80, s31, s10, $0xb8;
	[tilespmem:$0x1E000] =	vst v63  }
0x9d: {  	v2 =	vld [tilespmem:s23+$0x16060]  }
0x9e: {  	v4 =	vld [tilespmem:s23+$0x16000]  }
0x9f: {  	v3 =	vld [tilespmem:s23+$0x16010]  }
0xa0: {  	v6 =	vld [tilespmem:s23+$0x16020]  }
0xa1: {  	v8 =	vimm.f32 $0.0e+00;
	v9 =	vimm.f32 $0.0e+00;
	v5 =	vld [tilespmem:s23+$0x16030]  }
0xa2: {  	v12 =	vimm.f32 $0.0e+00;
	v11 =	vimm.f32 $0.0e+00;
	v1 =	vimm.f32 $0.0e+00;
	v7 =	vld [tilespmem:s23+$0x16040]  }
0xa3: {  	s24 =	simm.s32 $0x80;
	v10 =	vimm.f32 $0.0e+00;
	s25 =	simm.s32 $0x400;
	v13 =	vld [tilespmem:s23+$0x16050];
	v2 =	vadd.f32 v2, v1;
	v4 =	vadd.f32 v4, v1  }
.LBB2_11:
0xa4: {  	p0 =	sne.s32 s25, $0x18E00;
	v14 =	vld [tilespmem:s24+$0x16060];
	v8 =	vadd.f32 v3, v8  }
0xa5: {  	v15 =	vld [tilespmem:s24+$0x16000];
	v9 =	vadd.f32 v6, v9  }
.Ltmp4:
0xa6: {  	v3 =	vld [tilespmem:s24+$0x16010];
	v11 =	vadd.f32 v5, v11;
	(pc) =	sbr.rel @p0 .LBB2_11-.Ltmp4, $4  }
0xa7: {  	v6 =	vld [tilespmem:s24+$0x16020];
	v12 =	vadd.f32 v7, v12  }
0xa8: {  	v5 =	vld [tilespmem:s24+$0x16030];
	v10 =	vadd.f32 v13, v10  }
0xa9: {  	v7 =	vld [tilespmem:s24+$0x16040];
	v2 =	vadd.f32 v14, v2  }
0xaa: {  	v4 =	vadd.f32 v15, v4;
	v13 =	vld [tilespmem:s24+$0x16050];
	s24 =	sshra.s32 s25, $0x2;
	s25 =	sadd.s32 $0x200, s25  }
0xab: {  	v14 =	vld [tilespmem:s24+$0x16060]  }
0xac: {  	v15 =	vld [tilespmem:s24+$0x16000]  }
0xad: {  	v16 =	vld [tilespmem:s24+$0x16010]  }
0xae: {  	v17 =	vld [tilespmem:s24+$0x16020]  }
0xaf: {  	v18 =	vld [tilespmem:s24+$0x16030]  }
0xb0: {  	v19 =	vld [tilespmem:s24+$0x16040]  }
0xb1: {  	v20 =	vld [tilespmem:s24+$0x16050];
	v8 =	vadd.f32 v3, v8  }
0xb2: {  	v21 =	vld [tilespmem:s23+$0x1C460];
	v6 =	vadd.f32 v6, v9;
	v5 =	vadd.f32 v5, v11  }
0xb3: {  	v7 =	vadd.f32 v7, v12;
	v12 =	vld [tilespmem:s23+$0x1C400];
	v11 =	vadd.f32 v13, v10  }
0xb4: {  	v3 =	vadd.f32 v14, v2;
	v10 =	vadd.f32 v15, v4;
	v15 =	vld [tilespmem:s23+$0x1C410]  }
0xb5: {  	v9 =	vadd.f32 v16, v8;
	v8 =	vadd.f32 v17, v6;
	v17 =	vld [tilespmem:s23+$0x1C420]  }
0xb6: {  	v13 =	vimm.f32 $0.0e+00;
	v6 =	vadd.f32 v18, v5;
	v5 =	vadd.f32 v19, v7;
	v16 =	vld [tilespmem:s23+$0x1C430]  }
0xb7: {  	v2 =	vadd.f32 v21, v1;
	v19 =	vimm.f32 $0.0e+00;
	v4 =	vadd.f32 v20, v11;
	v11 =	vld [tilespmem:s23+$0x1C440]  }
0xb8: {  	s24 =	simm.s32 $0x80;
	s25 =	simm.s32 $0x400;
	v14 =	vld [tilespmem:s23+$0x1C450];
	v18 =	vimm.f32 $0.0e+00;
	v7 =	vadd.f32 v12, v1;
	v12 =	vimm.f32 $0.0e+00  }
.LBB2_13:
0xb9: {  	p0 =	sne.s32 s25, $0x2600;
	v20 =	vld [tilespmem:s24+$0x1C460];
	v1 =	vadd.f32 v15, v1  }
0xba: {  	v21 =	vld [tilespmem:s24+$0x1C400];
	v19 =	vadd.f32 v17, v19  }
.Ltmp5:
0xbb: {  	v15 =	vld [tilespmem:s24+$0x1C410];
	v18 =	vadd.f32 v16, v18;
	(pc) =	sbr.rel @p0 .LBB2_13-.Ltmp5, $4  }
0xbc: {  	v17 =	vld [tilespmem:s24+$0x1C420];
	v13 =	vadd.f32 v11, v13  }
0xbd: {  	v16 =	vld [tilespmem:s24+$0x1C430];
	v12 =	vadd.f32 v14, v12  }
0xbe: {  	v11 =	vld [tilespmem:s24+$0x1C440];
	v2 =	vadd.f32 v20, v2  }
0xbf: {  	v7 =	vadd.f32 v21, v7;
	v14 =	vld [tilespmem:s24+$0x1C450];
	s24 =	sshra.s32 s25, $0x2;
	s25 =	sadd.s32 $0x200, s25  }
0xc0: {  	v20 =	vld [tilespmem:s24+$0x1C460]  }
0xc1: {  	v21 =	vld [tilespmem:s24+$0x1C400]  }
0xc2: {  	v22 =	vld [tilespmem:s24+$0x1C410]  }
0xc3: {  	v23 =	vld [tilespmem:s24+$0x1C420];
	v10 =	vmul.f32 $4.999999890e-03, v10;
	s23 =	sshll.u32 s21, $0x7  }
0xc4: {  	v24 =	vld [tilespmem:s24+$0x1C430];
	s22 =	sand.u32 $0x800, s22;
	v9 =	vmul.f32 $4.999999890e-03, v9;
	s23 =	sand.u32 $0x380, s23  }
0xc5: {  	v55 =	vld [tilespmem:s24+$0x1C440];
	v8 =	vmul.f32 $4.999999890e-03, v8;
	v10 =	vmax.f32 v10, $0.0e+00;
	s22 =	sor.u32 s23, s22  }
0xc6: {  	v56 =	vld [tilespmem:s24+$0x1C450];
	v6 =	vmul.f32 $4.999999890e-03, v6;
	v9 =	vmax.f32 v9, $0.0e+00;
	[tilespmem:s22+$0x1D000] =	vst v10  }
0xc7: {  	v5 =	vmul.f32 $4.999999890e-03, v5;
	v8 =	vmax.f32 v8, $0.0e+00;
	[tilespmem:s22+$0x1D010] =	vst v9  }
0xc8: {  	v4 =	vmul.f32 $4.999999890e-03, v4;
	v6 =	vmax.f32 v6, $0.0e+00;
	[tilespmem:s22+$0x1D020] =	vst v8  }
0xc9: {  	v1 =	vadd.f32 v15, v1;
	v3 =	vmul.f32 $4.999999890e-03, v3;
	v5 =	vmax.f32 v5, $0.0e+00;
	[tilespmem:s22+$0x1D030] =	vst v6  }
0xca: {  	v54 =	vadd.f32 v17, v19;
	v4 =	vmax.f32 v4, $0.0e+00;
	[tilespmem:s22+$0x1D040] =	vst v5;
	v7 =	vadd.f32 v21, v7  }
0xcb: {  	v16 =	vadd.f32 v16, v18;
	v3 =	vmax.f32 v3, $0.0e+00;
	[tilespmem:s22+$0x1D050] =	vst v4;
	v1 =	vadd.f32 v22, v1  }
0xcc: {  	v11 =	vadd.f32 v11, v13;
	[tilespmem:s22+$0x1D060] =	vst v3;
	v58 =	vadd.f32 v23, v54;
	v59 =	vmul.f32 $5.000000070e-02, v7  }
0xcd: {  	[tilespmem:s22+$0x1D460] =	vst v0;
	v57 =	vadd.f32 v14, v12;
	v60 =	vadd.f32 v24, v16;
	v1 =	vmul.f32 $5.000000070e-02, v1  }
0xce: {  	[tilespmem:s22+$0x1D470] =	vst v0;
	v61 =	vadd.f32 v55, v11;
	v62 =	vmul.f32 $5.000000070e-02, v58;
	v3 =	vmax.f32 v59, $0.0e+00  }
0xcf: {  	v63 =	vadd.f32 v56, v57;
	v1 =	vmax.f32 v1, $0.0e+00;
	[tilespmem:s22+$0x1D070] =	vst v3;
	v3 =	vmul.f32 $5.000000070e-02, v60  }
0xd0: {  	v2 =	vadd.f32 v20, v2;
	v4 =	vmul.f32 $5.000000070e-02, v61;
	[tilespmem:s22+$0x1D400] =	vst v1;
	v1 =	vmax.f32 v62, $0.0e+00  }
0xd1: {  	s31 =	sand.u32 $0xF, s21;
	[tilespmem:s22+$0x1D410] =	vst v1;
	v1 =	vmax.f32 v3, $0.0e+00;
	v3 =	vmul.f32 $5.000000070e-02, v63  }
0xd2: {  	p0 =	sne.s32 s31, $0xF;
	v2 =	vmul.f32 $5.000000070e-02, v2;
	[tilespmem:s22+$0x1D420] =	vst v1;
	v1 =	vmax.f32 v4, $0.0e+00  }
0xd3: {  	s20 =	sadd.s32 $0x1, s20;
	s21 =	sadd.s32 @!p0 s4, s21;
	[tilespmem:s22+$0x1D430] =	vst v1;
	v1 =	vmax.f32 v3, $0.0e+00  }
0xd4: {  	p1 =	sne.s32 s20, $0x2A;
	s21 =	sshll.u32 @!p0 s21, $0x5;
	[tilespmem:s22+$0x1D440] =	vst v1;
	v1 =	vmax.f32 v2, $0.0e+00  }
0xd5: {  	s23 =	simm.s32 @!p0 $0x1D000;
	s21 =	sadd.s32 @!p0 s21, s6;
	[tilespmem:s22+$0x1D450] =	vst v1;
	s22 =	simm.s32 @!p0 $0x0  }
0xd6: {  	[hbm4b:s21+s22] =	stream.linear.scatter @!p0 [tilespmem:s23], [sflag:$0x4], $0x1000, $0x38;
	[tilespmem:$0x1E000] =	vst v63  }
.Ltmp6:
0xd7: {  	_ = 	snop;
	(pc) =	sbr.rel @p1 .LBB2_2-.Ltmp6, $4  }
0xd8: {  	s21 =	simm.s32 @!p0 $0x4  }
0xd9: {  	_ =	swait.ge @!p0 [sflag:s21], $0x1000  }
0xda: {  	[sflag:s21] =	ssyncset.done @!p0 $0x0  }
0xdb: {  	[sflag:s21] =	ssyncadd.s32 @!p0 $0xFFFFF000  }
0xdc: {  	_ =	swait.ge [sflag:s14], $0x7000  }
0xdd: {  	[sflag:s14] =	ssyncset.done $0x0  }
0xde: {  	s20 =	simm.s32 $0x0;
	[sflag:s14] =	ssyncadd.s32 $0xFFFF9000  }
0xdf: {  	v2 =	vld [tilespmem:s20+$0x8060]  }
0xe0: {  	v4 =	vld [tilespmem:s20+$0x8000]  }
0xe1: {  	v3 =	vld [tilespmem:s20+$0x8010]  }
0xe2: {  	v6 =	vld [tilespmem:s20+$0x8020]  }
0xe3: {  	v1 =	vimm.f32 $0.0e+00;
	v8 =	vimm.f32 $0.0e+00;
	v5 =	vld [tilespmem:s20+$0x8030]  }
0xe4: {  	v9 =	vimm.f32 $0.0e+00;
	v11 =	vimm.f32 $0.0e+00;
	v12 =	vimm.f32 $0.0e+00;
	v7 =	vld [tilespmem:s20+$0x8040]  }
0xe5: {  	s21 =	simm.s32 $0x80;
	s22 =	simm.s32 $0x400;
	v10 =	vimm.f32 $0.0e+00;
	v13 =	vld [tilespmem:s20+$0x8050];
	v2 =	vadd.f32 v2, v1;
	v4 =	vadd.f32 v4, v1  }
.LBB2_16:
0xe6: {  	p0 =	sne.s32 s22, $0x18E00;
	v14 =	vld [tilespmem:s21+$0x8060];
	v8 =	vadd.f32 v3, v8  }
0xe7: {  	v15 =	vld [tilespmem:s21+$0x8000];
	v9 =	vadd.f32 v6, v9  }
.Ltmp7:
0xe8: {  	v3 =	vld [tilespmem:s21+$0x8010];
	v11 =	vadd.f32 v5, v11;
	(pc) =	sbr.rel @p0 .LBB2_16-.Ltmp7, $4  }
0xe9: {  	v6 =	vld [tilespmem:s21+$0x8020];
	v12 =	vadd.f32 v7, v12  }
0xea: {  	v5 =	vld [tilespmem:s21+$0x8030];
	v10 =	vadd.f32 v13, v10  }
0xeb: {  	v7 =	vld [tilespmem:s21+$0x8040];
	v2 =	vadd.f32 v14, v2  }
0xec: {  	v4 =	vadd.f32 v15, v4;
	v13 =	vld [tilespmem:s21+$0x8050];
	s21 =	sshra.s32 s22, $0x2;
	s22 =	sadd.s32 $0x200, s22  }
0xed: {  	v14 =	vld [tilespmem:s21+$0x8060]  }
0xee: {  	v15 =	vld [tilespmem:s21+$0x8000]  }
0xef: {  	v16 =	vld [tilespmem:s21+$0x8010]  }
0xf0: {  	v17 =	vld [tilespmem:s21+$0x8020]  }
0xf1: {  	v18 =	vld [tilespmem:s21+$0x8030]  }
0xf2: {  	v19 =	vld [tilespmem:s21+$0x8040]  }
0xf3: {  	v8 =	vadd.f32 v3, v8;
	v21 =	vld [tilespmem:s20+$0xE460];
	v6 =	vadd.f32 v6, v9  }
0xf4: {  	v20 =	vld [tilespmem:s21+$0x8050];
	v5 =	vadd.f32 v5, v11;
	v7 =	vadd.f32 v7, v12  }
0xf5: {  	v12 =	vld [tilespmem:s20+$0xE400];
	v11 =	vadd.f32 v13, v10;
	v3 =	vadd.f32 v14, v2  }
0xf6: {  	v13 =	vld [tilespmem:s20+$0xE410];
	v10 =	vadd.f32 v15, v4;
	v9 =	vadd.f32 v16, v8  }
0xf7: {  	v8 =	vadd.f32 v17, v6;
	v6 =	vadd.f32 v18, v5;
	v14 =	vld [tilespmem:s20+$0xE420]  }
0xf8: {  	v5 =	vadd.f32 v19, v7;
	v15 =	vld [tilespmem:s20+$0xE430];
	v2 =	vadd.f32 v21, v1  }
0xf9: {  	v18 =	vimm.f32 $0.0e+00;
	v19 =	vimm.f32 $0.0e+00;
	v4 =	vadd.f32 v20, v11;
	v11 =	vld [tilespmem:s20+$0xE440]  }
0xfa: {  	s21 =	simm.s32 $0x80;
	s22 =	simm.s32 $0x400;
	v17 =	vld [tilespmem:s20+$0xE450];
	v16 =	vimm.f32 $0.0e+00;
	v7 =	vadd.f32 v12, v1;
	v12 =	vimm.f32 $0.0e+00  }
.LBB2_18:
0xfb: {  	p0 =	sne.s32 s22, $0x2600;
	v20 =	vld [tilespmem:s21+$0xE460];
	v1 =	vadd.f32 v13, v1  }
0xfc: {  	v21 =	vld [tilespmem:s21+$0xE400];
	v18 =	vadd.f32 v14, v18  }
.Ltmp8:
0xfd: {  	v13 =	vld [tilespmem:s21+$0xE410];
	v19 =	vadd.f32 v15, v19;
	(pc) =	sbr.rel @p0 .LBB2_18-.Ltmp8, $4  }
0xfe: {  	v14 =	vld [tilespmem:s21+$0xE420];
	v16 =	vadd.f32 v11, v16  }
0xff: {  	v15 =	vld [tilespmem:s21+$0xE430];
	v12 =	vadd.f32 v17, v12  }
0x100: {  	v11 =	vld [tilespmem:s21+$0xE440];
	v2 =	vadd.f32 v20, v2  }
0x101: {  	v7 =	vadd.f32 v21, v7;
	v17 =	vld [tilespmem:s21+$0xE450];
	s21 =	sshra.s32 s22, $0x2;
	s22 =	sadd.s32 $0x200, s22  }
0x102: {  	v20 =	vld [tilespmem:s21+$0xE460]  }
0x103: {  	v21 =	vld [tilespmem:s21+$0xE400]  }
0x104: {  	v22 =	vld [tilespmem:s21+$0xE410]  }
0x105: {  	v23 =	vld [tilespmem:s21+$0xE420];
	v10 =	vmul.f32 $4.999999890e-03, v10  }
0x106: {  	v24 =	vld [tilespmem:s21+$0xE430];
	v1 =	vadd.f32 v13, v1;
	v9 =	vmul.f32 $4.999999890e-03, v9;
	v8 =	vmul.f32 $4.999999890e-03, v8  }
0x107: {  	v63 =	vld [tilespmem:s21+$0xE450];
	v6 =	vmul.f32 $4.999999890e-03, v6;
	v5 =	vmul.f32 $4.999999890e-03, v5;
	v10 =	vmax.f32 v10, $0.0e+00  }
0x108: {  	v4 =	vmul.f32 $4.999999890e-03, v4;
	v13 =	vadd.f32 v14, v18;
	v14 =	vld [tilespmem:s21+$0xE440];
	v9 =	vmax.f32 v9, $0.0e+00;
	[tilespmem:$0x1DB00] =	vst v10  }
0x109: {  	v3 =	vmul.f32 $4.999999890e-03, v3;
	v15 =	vadd.f32 v15, v19;
	v8 =	vmax.f32 v8, $0.0e+00;
	[tilespmem:$0x1DB10] =	vst v9  }
0x10a: {  	v6 =	vmax.f32 v6, $0.0e+00;
	v5 =	vmax.f32 v5, $0.0e+00;
	[tilespmem:$0x1DB20] =	vst v8;
	v7 =	vadd.f32 v21, v7  }
0x10b: {  	v4 =	vmax.f32 v4, $0.0e+00;
	v3 =	vmax.f32 v3, $0.0e+00;
	[tilespmem:$0x1DB30] =	vst v6;
	v1 =	vadd.f32 v22, v1  }
0x10c: {  	v11 =	vadd.f32 v11, v16;
	[tilespmem:$0x1DB40] =	vst v5;
	v2 =	vadd.f32 v20, v2;
	v5 =	vmul.f32 $5.000000070e-02, v7  }
0x10d: {  	[tilespmem:$0x1DB50] =	vst v4;
	v10 =	vadd.f32 v17, v12;
	v6 =	vadd.f32 v23, v13;
	v1 =	vmul.f32 $5.000000070e-02, v1  }
0x10e: {  	[tilespmem:$0x1DB60] =	vst v3;
	v7 =	vadd.f32 v24, v15;
	v2 =	vmul.f32 $5.000000070e-02, v2;
	v3 =	vmax.f32 v5, $0.0e+00  }
0x10f: {  	v4 =	vadd.f32 v14, v11;
	v5 =	vmul.f32 $5.000000070e-02, v6;
	v1 =	vmax.f32 v1, $0.0e+00;
	[tilespmem:$0x1DB70] =	vst v3  }
0x110: {  	v6 =	vadd.f32 v63, v10;
	v2 =	vmax.f32 v2, $0.0e+00;
	v3 =	vmul.f32 $5.000000070e-02, v7;
	[tilespmem:$0x1DF00] =	vst v1  }
0x111: {  	v4 =	vmul.f32 $5.000000070e-02, v4;
	[tilespmem:$0x1DF50] =	vst v2;
	v1 =	vmax.f32 v5, $0.0e+00  }
0x112: {  	[tilespmem:$0x1DF10] =	vst v1;
	v1 =	vmax.f32 v3, $0.0e+00;
	v3 =	vmul.f32 $5.000000070e-02, v6  }
0x113: {  	[tilespmem:$0x1DF20] =	vst v1;
	v1 =	vmax.f32 v4, $0.0e+00  }
0x114: {  	[tilespmem:$0x1DF30] =	vst v1;
	v1 =	vmax.f32 v3, $0.0e+00  }
0x115: {  	[tilespmem:$0x1DF40] =	vst v1;
	v1 =	vimm.f32 $0.0e+00  }
0x116: {  	[tilespmem:$0x1DF60] =	vst v1  }
0x117: {  	[tilespmem:$0x1DF70] =	vst v1  }
0x118: {  	_ =	swait.ge [sflag:s16], $0x7000  }
0x119: {  	[sflag:s16] =	ssyncset.done $0x0  }
0x11a: {  	s20 =	simm.s32 $0x0;
	[sflag:s16] =	ssyncadd.s32 $0xFFFF9000  }
0x11b: {  	v2 =	vld [tilespmem:s20+$0xF060]  }
0x11c: {  	v4 =	vld [tilespmem:s20+$0xF000]  }
0x11d: {  	v5 =	vld [tilespmem:s20+$0xF010]  }
0x11e: {  	v6 =	vld [tilespmem:s20+$0xF020]  }
0x11f: {  	v8 =	vimm.f32 $0.0e+00;
	v3 =	vld [tilespmem:s20+$0xF030]  }
0x120: {  	v9 =	vimm.f32 $0.0e+00;
	v12 =	vimm.f32 $0.0e+00;
	v11 =	vimm.f32 $0.0e+00;
	v7 =	vld [tilespmem:s20+$0xF040]  }
0x121: {  	s22 =	simm.s32 $0x400;
	s21 =	simm.s32 $0x80;
	v10 =	vimm.f32 $0.0e+00;
	v13 =	vld [tilespmem:s20+$0xF050];
	v2 =	vadd.f32 v2, v1;
	v4 =	vadd.f32 v4, v1  }
.LBB2_20:
0x122: {  	p0 =	sne.s32 s22, $0x18E00;
	v14 =	vld [tilespmem:s21+$0xF060];
	v8 =	vadd.f32 v5, v8  }
0x123: {  	v15 =	vld [tilespmem:s21+$0xF000];
	v9 =	vadd.f32 v6, v9  }
.Ltmp9:
0x124: {  	v5 =	vld [tilespmem:s21+$0xF010];
	v11 =	vadd.f32 v3, v11;
	(pc) =	sbr.rel @p0 .LBB2_20-.Ltmp9, $4  }
0x125: {  	v6 =	vld [tilespmem:s21+$0xF020];
	v12 =	vadd.f32 v7, v12  }
0x126: {  	v3 =	vld [tilespmem:s21+$0xF030];
	v10 =	vadd.f32 v13, v10  }
0x127: {  	v7 =	vld [tilespmem:s21+$0xF040];
	v2 =	vadd.f32 v14, v2  }
0x128: {  	v4 =	vadd.f32 v15, v4;
	v13 =	vld [tilespmem:s21+$0xF050];
	s21 =	sshra.s32 s22, $0x2;
	s22 =	sadd.s32 $0x200, s22  }
0x129: {  	v14 =	vld [tilespmem:s21+$0xF060]  }
0x12a: {  	v15 =	vld [tilespmem:s21+$0xF000]  }
0x12b: {  	v16 =	vld [tilespmem:s21+$0xF010]  }
0x12c: {  	v17 =	vld [tilespmem:s21+$0xF020]  }
0x12d: {  	v18 =	vld [tilespmem:s21+$0xF030]  }
0x12e: {  	v19 =	vld [tilespmem:s21+$0xF040]  }
0x12f: {  	v5 =	vadd.f32 v5, v8;
	v21 =	vld [tilespmem:s20+$0x15460];
	v6 =	vadd.f32 v6, v9  }
0x130: {  	v20 =	vld [tilespmem:s21+$0xF050];
	v11 =	vadd.f32 v3, v11;
	v7 =	vadd.f32 v7, v12  }
0x131: {  	v12 =	vld [tilespmem:s20+$0x15400];
	v22 =	vadd.f32 v13, v10;
	v3 =	vadd.f32 v14, v2  }
0x132: {  	v13 =	vld [tilespmem:s20+$0x15410];
	v10 =	vadd.f32 v15, v4;
	v9 =	vadd.f32 v16, v5  }
0x133: {  	v8 =	vadd.f32 v17, v6;
	v6 =	vadd.f32 v18, v11;
	v14 =	vld [tilespmem:s20+$0x15420]  }
0x134: {  	v5 =	vadd.f32 v19, v7;
	v15 =	vld [tilespmem:s20+$0x15430];
	v2 =	vadd.f32 v21, v1  }
0x135: {  	v11 =	vld [tilespmem:s20+$0x15440];
	v18 =	vimm.f32 $0.0e+00;
	v19 =	vimm.f32 $0.0e+00;
	v16 =	vimm.f32 $0.0e+00  }
0x136: {  	s21 =	simm.s32 $0x80;
	s22 =	simm.s32 $0x400;
	v17 =	vld [tilespmem:s20+$0x15450];
	v4 =	vadd.f32 v20, v22;
	v7 =	vadd.f32 v12, v1;
	v12 =	vimm.f32 $0.0e+00  }
.LBB2_22:
0x137: {  	p0 =	sne.s32 s22, $0x2600;
	v20 =	vld [tilespmem:s21+$0x15460];
	v1 =	vadd.f32 v13, v1  }
0x138: {  	v21 =	vld [tilespmem:s21+$0x15400];
	v18 =	vadd.f32 v14, v18  }
.Ltmp10:
0x139: {  	v13 =	vld [tilespmem:s21+$0x15410];
	v19 =	vadd.f32 v15, v19;
	(pc) =	sbr.rel @p0 .LBB2_22-.Ltmp10, $4  }
0x13a: {  	v14 =	vld [tilespmem:s21+$0x15420];
	v16 =	vadd.f32 v11, v16  }
0x13b: {  	v15 =	vld [tilespmem:s21+$0x15430];
	v12 =	vadd.f32 v17, v12  }
0x13c: {  	v11 =	vld [tilespmem:s21+$0x15440];
	v2 =	vadd.f32 v20, v2  }
0x13d: {  	v7 =	vadd.f32 v21, v7;
	v17 =	vld [tilespmem:s21+$0x15450];
	s21 =	sshra.s32 s22, $0x2;
	s22 =	sadd.s32 $0x200, s22  }
0x13e: {  	v20 =	vld [tilespmem:s21+$0x15460]  }
0x13f: {  	v21 =	vld [tilespmem:s21+$0x15400]  }
0x140: {  	v22 =	vld [tilespmem:s21+$0x15410]  }
0x141: {  	v23 =	vld [tilespmem:s21+$0x15420]  }
0x142: {  	v24 =	vld [tilespmem:s21+$0x15430]  }
0x143: {  	v10 =	vmul.f32 $4.999999890e-03, v10;
	v55 =	vld [tilespmem:s21+$0x15440]  }
0x144: {  	v1 =	vadd.f32 v13, v1;
	v9 =	vmul.f32 $4.999999890e-03, v9;
	v56 =	vld [tilespmem:s21+$0x15450];
	v8 =	vmul.f32 $4.999999890e-03, v8;
	[tilespmem:$0x1DFE0] =	vst v0  }
0x145: {  	v6 =	vmul.f32 $4.999999890e-03, v6;
	v5 =	vmul.f32 $4.999999890e-03, v5;
	[tilespmem:$0x1DFF0] =	vst v0;
	v10 =	vmax.f32 v10, $0.0e+00  }
0x146: {  	v4 =	vmul.f32 $4.999999890e-03, v4;
	v3 =	vmul.f32 $4.999999890e-03, v3;
	v9 =	vmax.f32 v9, $0.0e+00;
	[tilespmem:$0x1DB80] =	vst v10  }
0x147: {  	v54 =	vadd.f32 v14, v18;
	v15 =	vadd.f32 v15, v19;
	v8 =	vmax.f32 v8, $0.0e+00;
	[tilespmem:$0x1DB90] =	vst v9  }
0x148: {  	v6 =	vmax.f32 v6, $0.0e+00;
	v5 =	vmax.f32 v5, $0.0e+00;
	[tilespmem:$0x1DBA0] =	vst v8;
	v7 =	vadd.f32 v21, v7  }
0x149: {  	v4 =	vmax.f32 v4, $0.0e+00;
	v3 =	vmax.f32 v3, $0.0e+00;
	[tilespmem:$0x1DBB0] =	vst v6;
	v1 =	vadd.f32 v22, v1  }
0x14a: {  	v11 =	vadd.f32 v11, v16;
	[tilespmem:$0x1DBC0] =	vst v5;
	v58 =	vadd.f32 v23, v54;
	v59 =	vmul.f32 $5.000000070e-02, v7  }
0x14b: {  	[tilespmem:$0x1DBD0] =	vst v4;
	v57 =	vadd.f32 v17, v12;
	v60 =	vadd.f32 v24, v15;
	v1 =	vmul.f32 $5.000000070e-02, v1  }
0x14c: {  	[tilespmem:$0x1DBE0] =	vst v3;
	v61 =	vadd.f32 v55, v11;
	v62 =	vmul.f32 $5.000000070e-02, v58;
	v3 =	vmax.f32 v59, $0.0e+00  }
0x14d: {  	v63 =	vadd.f32 v56, v57;
	v1 =	vmax.f32 v1, $0.0e+00;
	[tilespmem:$0x1DBF0] =	vst v3;
	v3 =	vmul.f32 $5.000000070e-02, v60  }
0x14e: {  	v2 =	vadd.f32 v20, v2;
	v4 =	vmul.f32 $5.000000070e-02, v61;
	[tilespmem:$0x1DF80] =	vst v1;
	v1 =	vmax.f32 v62, $0.0e+00  }
0x14f: {  	[tilespmem:$0x1DF90] =	vst v1;
	v1 =	vmax.f32 v3, $0.0e+00;
	v3 =	vmul.f32 $5.000000070e-02, v63  }
0x150: {  	v2 =	vmul.f32 $5.000000070e-02, v2;
	[tilespmem:$0x1DFA0] =	vst v1;
	v1 =	vmax.f32 v4, $0.0e+00  }
0x151: {  	s19 =	sadd.s32 $0x1, s19;
	[tilespmem:$0x1DFB0] =	vst v1;
	v1 =	vmax.f32 v3, $0.0e+00  }
0x152: {  	p0 =	sne.s32 s19, s8;
	[tilespmem:$0x1DFC0] =	vst v1;
	v1 =	vmax.f32 v2, $0.0e+00  }
.Ltmp11:
0x153: {  	[tilespmem:$0x1DFD0] =	vst v1;
	(pc) =	sbr.rel @p0 .LBB2_1-.Ltmp11, $4  }
0x154: {  	[hbm4b:s7+s2] =	stream.linear.scatter [tilespmem:s18], [sflag:$0x4], $0x1000, $0x38;
	[tilespmem:$0x1E000] =	vst v63  }
0x155: {  	_ =	swait.ge [sflag:s9], $0x1000  }
0x156: {  	[sflag:s9] =	ssyncset.done $0x0  }
0x157: {  	[sflag:s9] =	ssyncadd.s32 $0xFFFFF000  }
0x158: {  	_ =	sfence.sel $0x180000  }
0x159: {  	[bflag:$0x0] =	sbarrier.arrive $0xFFFF  }
0x15a: {  	p0 =	sne.s32 s0, $0x0;
	_ =	strace $0x90000047  }
0x15b: {  	s0 =	sadd.s32 @!p0 $0x100000, s1;
	[bflag:$0x2] =	sbarrier.arrive $0xFFFF  }
0x15c: {  	[sflag:s0] =	ssyncadd.tile.s32 @!p0 $0x1;
	_ =	shalt  }
.Lfunc_end2:
_tile_overlayer_lowered:
.L_overlay_start_2:
0x15d: {  	(tag) =	ssettag $0x2  }
0x15e: {  	s0 =	rddreg [dreg:$0x0];
	s2 =	stileid.u32  }
0x15f: {  	s1 =	rddreg [dreg:$0x1];
	p0 =	sne.s32 s2, $0x0  }
0x160: {  	s3 =	rddreg [dreg:$0x2];
	[bflag:$0x3] =	sbarrier.arrive $0xFFFF;
	s2 =	simm.s32 @!p0 $0x1C04  }
0x161: {  	[timem:s3], [sflag:s2] =	dma.local @!p0 [hbm:s0], s1  }
0x162: {  	s0 =	simm.s32 @!p0 $0x4  }
0x163: {  	_ =	swait.ge @!p0 [sflag:s0], s1  }
0x164: {  	s1 =	ssub.s32 @!p0 $0x0, s1;
	[sflag:s0] =	ssyncset.done @!p0 $0x0  }
0x165: {  	[sflag:s0] =	ssyncadd.s32 @!p0 s1  }
0x166: {  	[bflag:$0x3] =	sbarrier.arrive $0xFFFF  }
0x167: {  	_ =	shalt  }

</sc_bundles>
